<compile_context>
chip_gen: v7x
topology: tpu7x:2x2x1
jax: 0.10.2.dev20260603
libtpu: 0.0.44.dev20260713+nightly
codegen_flags: <defaults>
</compile_context>

<pallas_src>
import functools

import jax
import jax.numpy as jnp
from jax import lax
from jax.experimental import pallas as pl
from jax.experimental.pallas import tpu as pltpu
from jax.experimental.pallas import tpu_sc as plsc

_P, _S, _NC, _D = 3, 512, 1024, 64
_TEMP = 0.07
_MATCH_W = 0.2
_CONF_W = 0.02
_B = _P * _S
_V = _P * _NC
_W = 128

_NCORES = 2
_NSUB = 16
_NW = _NCORES * _NSUB
_CPW = _S // _NW
_BPW = _P * _CPW


def _sc_gather_body(dsp_hbm, dtp_hbm, si_hbm, ti_hbm, q_out, t_out,
                    si_v, ti_v, q_rows, t_rows, sem_i, sem_g, sem_o):
    wid = lax.axis_index("s") * _NCORES + lax.axis_index("c")
    c0 = wid * _CPW

    loads = []
    for p in range(_P):
        loads.append(pltpu.async_copy(
            si_hbm.at[p, pl.ds(c0, _CPW)], si_v.at[pl.ds(p * _CPW, _CPW)], sem_i))
        loads.append(pltpu.async_copy(
            ti_hbm.at[p, pl.ds(c0, _CPW)], ti_v.at[pl.ds(p * _CPW, _CPW)], sem_i))
    for ld in loads:
        ld.wait()

    for p in range(1, _P):
        si_v[pl.ds(p * _CPW, _CPW)] = si_v[pl.ds(p * _CPW, _CPW)] + (p * _NC)
        ti_v[pl.ds(p * _CPW, _CPW)] = ti_v[pl.ds(p * _CPW, _CPW)] + (p * _NC)

    g_q = pltpu.async_copy(dsp_hbm.at[si_v], q_rows, sem_g)
    g_t = pltpu.async_copy(dtp_hbm.at[ti_v], t_rows, sem_g)

    stores = []
    g_q.wait()
    for p in range(_P):
        stores.append(pltpu.async_copy(
            q_rows.at[pl.ds(p * _CPW, _CPW)], q_out.at[p, pl.ds(c0, _CPW)], sem_o))
    g_t.wait()
    for p in range(_P):
        stores.append(pltpu.async_copy(
            t_rows.at[pl.ds(p * _CPW, _CPW)], t_out.at[p, pl.ds(c0, _CPW)], sem_o))
    for st in stores:
        st.wait()


@functools.cache
def _make_sc_gather():
    return functools.partial(
        pl.kernel,
        out_type=(
            jax.ShapeDtypeStruct((_P, _S, _W), jnp.float32),
            jax.ShapeDtypeStruct((_P, _S, _W), jnp.float32),
        ),
        mesh=plsc.VectorSubcoreMesh(core_axis_name="c", subcore_axis_name="s"),
        scratch_types=[
            pltpu.VMEM((_BPW,), jnp.int32),
            pltpu.VMEM((_BPW,), jnp.int32),
            pltpu.VMEM((_BPW, _W), jnp.float32),
            pltpu.VMEM((_BPW, _W), jnp.float32),
            pltpu.SemaphoreType.DMA,
            pltpu.SemaphoreType.DMA,
            pltpu.SemaphoreType.DMA,
        ],
    )(_sc_gather_body)


def _norm_rows(x):
    return x / (jnp.sqrt(jnp.sum(x * x, axis=-1, keepdims=True)) + 1e-6)


def _bce(logit, target):
    return (jnp.maximum(logit, 0.0) - logit * target
            + jnp.log1p(jnp.exp(-jnp.abs(logit))))


def _tc_body(ds_ref, dt_ref, q_ref, t_ref, valid_ref, out_ref, acc):
    p = pl.program_id(0)

    @pl.when(p == 0)
    def _():
        acc[0] = 0.0
        acc[1] = 0.0
        acc[2] = 0.0

    dsn = _norm_rows(ds_ref[0])
    dtn = _norm_rows(dt_ref[0])
    qrow = q_ref[0]
    trow = t_ref[0]
    qn = _norm_rows(qrow[:, :_D])
    tn = _norm_rows(trow[:, :_D])
    cs = jnp.sum(qrow[:, _D:], axis=-1)
    ct = jnp.sum(trow[:, _D:], axis=-1)
    rowsel = (lax.broadcasted_iota(jnp.int32, (_P, 1), 0) == p).astype(jnp.float32)
    vrow = jnp.sum(valid_ref[...] * rowsel, axis=0)
    vmask = (vrow > 0.5).astype(jnp.float32)

    inv_t = 1.0 / _TEMP
    dn = (((1,), (1,)), ((), ()))
    qb = (qn * inv_t).astype(jnp.bfloat16)
    tb = (tn * inv_t).astype(jnp.bfloat16)
    dsb = dsn.astype(jnp.bfloat16)
    dtb = dtn.astype(jnp.bfloat16)
    l_st = lax.dot_general(qb, dtb, dn,
                           preferred_element_type=jnp.float32)
    lse_st = jnp.log(jnp.sum(jnp.exp(l_st), axis=-1))
    l_ts = lax.dot_general(tb, dsb, dn,
                           preferred_element_type=jnp.float32)
    lse_ts = jnp.log(jnp.sum(jnp.exp(l_ts), axis=-1))
    gold = jnp.sum(qn * tn, axis=-1) * inv_t

    ce_pair = (lse_st + lse_ts - 2.0 * gold) * 0.5
    acc[0] += jnp.sum(ce_pair * vmask)
    acc[1] += jnp.sum(vmask)
    acc[2] += jnp.sum((_bce(cs, vmask) + _bce(ct, vmask)) * 0.5)

    @pl.when(p == _P - 1)
    def _():
        coarse = acc[0] / jnp.maximum(acc[1], 1.0)
        out_ref[0, 0] = _MATCH_W * coarse + _CONF_W * (acc[2] / float(_B))


_tc_loss = pl.pallas_call(
    _tc_body,
    grid=(_P,),
    in_specs=[
        pl.BlockSpec((1, _NC, _D), lambda p: (p, 0, 0)),
        pl.BlockSpec((1, _NC, _D), lambda p: (p, 0, 0)),
        pl.BlockSpec((1, _S, _W), lambda p: (p, 0, 0)),
        pl.BlockSpec((1, _S, _W), lambda p: (p, 0, 0)),
        pl.BlockSpec((_P, _S), lambda p: (0, 0)),
    ],
    out_specs=pl.BlockSpec((1, 1), lambda p: (0, 0), memory_space=pltpu.SMEM),
    out_shape=jax.ShapeDtypeStruct((1, 1), jnp.float32),
    scratch_shapes=[pltpu.SMEM((3,), jnp.float32)],
)


def kernel(desc_src, desc_tgt, conf_src, conf_tgt, src_idx, tgt_idx, valid):
    packed_s = (jnp.pad(desc_src, ((0, 0), (0, 0), (0, _W - _D)))
                + jnp.pad(conf_src[..., None], ((0, 0), (0, 0), (_D, _W - _D - 1))))
    packed_t = (jnp.pad(desc_tgt, ((0, 0), (0, 0), (0, _W - _D)))
                + jnp.pad(conf_tgt[..., None], ((0, 0), (0, 0), (_D, _W - _D - 1))))
    q_rows, t_rows = _make_sc_gather()(
        packed_s.reshape(_V, _W), packed_t.reshape(_V, _W),
        src_idx.astype(jnp.int32), tgt_idx.astype(jnp.int32))
    out = _tc_loss(desc_src, desc_tgt, q_rows, t_rows, valid)
    return out[0, 0]

# --- scband reference (transcript-rebuilt; emitter-appended) ---
"""Pipeline reference for scband-vggtmid-match-criterion-57629871178287 (READ-ONLY COPY).

The authoritative reference and input builder live on the scoring server;
editing this copy changes nothing except your own understanding.
"""

import jax, jax.numpy as jnp
import numpy as np

P, S, Nc, D = 3, 512, 1024, 64
TEMP = 0.07
MATCH_W = 0.2
CONF_W = 0.02


def setup_inputs(seed: int = 0) -> dict:
    key = jax.random.key(seed)
    ks = jax.random.split(key, 8)
    desc_src = jax.random.normal(ks[0], (P, Nc, D), dtype=jnp.float32)
    desc_tgt = jax.random.normal(ks[1], (P, Nc, D), dtype=jnp.float32)
    conf_src = jax.random.normal(ks[2], (P, Nc), dtype=jnp.float32)
    conf_tgt = jax.random.normal(ks[3], (P, Nc), dtype=jnp.float32)
    src_idx = jax.random.randint(ks[4], (P, S), 0, Nc)
    tgt_idx = jax.random.randint(ks[5], (P, S), 0, Nc)
    valid = jax.random.uniform(ks[6], (P, S), dtype=jnp.float32)
    return {"desc_src": desc_src, "desc_tgt": desc_tgt, "conf_src": conf_src,
            "conf_tgt": conf_tgt, "src_idx": src_idx, "tgt_idx": tgt_idx, "valid": valid}


def _ce(logits, labels):
    logz = jax.nn.logsumexp(logits, axis=-1)
    gold = jnp.take_along_axis(logits, labels[..., None], axis=-1)[..., 0]
    return logz - gold


def _bce_with_logits(logit, target):
    return jnp.maximum(logit, 0.0) - logit * target + jnp.log1p(jnp.exp(-jnp.abs(logit)))


def reference(desc_src, desc_tgt, conf_src, conf_tgt, src_idx, tgt_idx, valid):
    vmask = (valid > 0.5).astype(jnp.float32)
    dsn = desc_src / (jnp.linalg.norm(desc_src, axis=-1, keepdims=True) + 1e-6)
    dtn = desc_tgt / (jnp.linalg.norm(desc_tgt, axis=-1, keepdims=True) + 1e-6)
    # gather sampled source descriptors and score against all target coarse tokens (InfoNCE)
    q = jnp.take_along_axis(dsn, src_idx[..., None], axis=1)          # [P,S,D]
    logits_st = jnp.einsum('psd,pnd->psn', q, dtn) / TEMP             # [P,S,Nc]
    ce_st = _ce(logits_st, tgt_idx)                                   # [P,S]
    # symmetric direction
    t = jnp.take_along_axis(dtn, tgt_idx[..., None], axis=1)          # [P,S,D]
    logits_ts = jnp.einsum('psd,pnd->psn', t, dsn) / TEMP
    ce_ts = _ce(logits_ts, src_idx)
    denom = jnp.maximum(vmask.sum(), 1.0)
    coarse_loss = ((ce_st + ce_ts) * 0.5 * vmask).sum() / denom
    # confidence supervision at matched coarse cells (gather on conf maps)
    cs = jnp.take_along_axis(conf_src, src_idx, axis=1)               # [P,S]
    ct = jnp.take_along_axis(conf_tgt, tgt_idx, axis=1)
    conf_loss = ((_bce_with_logits(cs, vmask) + _bce_with_logits(ct, vmask)) * 0.5).mean()
    total = MATCH_W * coarse_loss + CONF_W * conf_loss
    return total

if __name__ == "__main__":
    import jax
    _d = setup_inputs()
    print(jax.jit(kernel)(*tuple(_d.values())))

</pallas_src>

<mosaic_0001>
#map = affine_map<(d0, d1) -> (0, 0)>
#map1 = affine_map<(d0, d1) -> (0, 0, 0)>
module attributes {stable_mosaic.version = 14 : i64} {
  func.func @_sc_gather_body(%arg0: i32, %arg1: i32, %arg2: memref<3072x128xf32, #tpu.memory_space<hbm>>, %arg3: memref<3072x128xf32, #tpu.memory_space<hbm>>, %arg4: memref<3x512xi32, #tpu.memory_space<hbm>>, %arg5: memref<3x512xi32, #tpu.memory_space<hbm>>, %arg6: memref<3x512x128xf32, #tpu.memory_space<hbm>>, %arg7: memref<3x512x128xf32, #tpu.memory_space<hbm>>, %arg8: memref<48xi32, #tpu.memory_space<vmem>>, %arg9: memref<48xi32, #tpu.memory_space<vmem>>, %arg10: memref<48x128xf32, #tpu.memory_space<vmem>>, %arg11: memref<48x128xf32, #tpu.memory_space<vmem>>, %arg12: memref<!tpu.dma_semaphore, #tpu.memory_space<semaphore_mem>>, %arg13: memref<!tpu.dma_semaphore, #tpu.memory_space<semaphore_mem>>, %arg14: memref<!tpu.dma_semaphore, #tpu.memory_space<semaphore_mem>>) attributes {dimension_semantics = [#tpu.dimension_semantics<core_parallel>, #tpu.dimension_semantics<subcore_parallel>], iteration_bounds = array<i64: 2, 16>, scalar_prefetch = 0 : i64, scratch_operands = 7 : i64, tpu.core_type = #tpu.core_type<sc_vector_subcore>, window_params = [{transform_indices = #map}, {transform_indices = #map}, {transform_indices = #map}, {transform_indices = #map}, {transform_indices = #map1}, {transform_indices = #map1}]} {
    %mul3A = arith.constant 2 : i32
    %mul3A_0 = arith.muli %arg1, %mul3A : i32
    %add3A = arith.addi %mul3A_0, %arg0 : i32
    %mul3A_1 = arith.constant 16 : i32
    %mul3A_2 = arith.muli %add3A, %mul3A_1 : i32
    %dma_start3A = arith.constant 0 : i32
    %dma_start3A_3 = arith.constant 0 : i32
    %dma_start3A_4 = tpu.memref_slice %arg8[%dma_start3A_3] : memref<48xi32, #tpu.memory_space<vmem>> -> memref<16xi32, #tpu.memory_space<vmem>>
    %dma_start3A_5 = tpu.memref_slice %arg4[%dma_start3A, %mul3A_2] : memref<3x512xi32, #tpu.memory_space<hbm>> -> memref<1x16xi32, #tpu.memory_space<hbm>>
    %dma_start3A_6 = tpu.memref_squeeze %dma_start3A_5 : memref<1x16xi32, #tpu.memory_space<hbm>> -> memref<16xi32, #tpu.memory_space<hbm>>
    %dma_start3A_7 = arith.constant 0 : i32
    %dma_start3A_8 = tpu.memref_slice %arg8[%dma_start3A_7] : memref<48xi32, #tpu.memory_space<vmem>> -> memref<16xi32, #tpu.memory_space<vmem>>
    %dma_start3A_9 = tpu.memref_slice %arg4[%dma_start3A, %mul3A_2] : memref<3x512xi32, #tpu.memory_space<hbm>> -> memref<1x16xi32, #tpu.memory_space<hbm>>
    %dma_start3A_10 = tpu.memref_squeeze %dma_start3A_9 : memref<1x16xi32, #tpu.memory_space<hbm>> -> memref<16xi32, #tpu.memory_space<hbm>>
    tpu.enqueue_dma source(%dma_start3A_10 : memref<16xi32, #tpu.memory_space<hbm>>) target(%dma_start3A_8 : memref<16xi32, #tpu.memory_space<vmem>>) target_semaphore(%arg12 : memref<!tpu.dma_semaphore, #tpu.memory_space<semaphore_mem>>)
    %dma_start3A_11 = arith.constant 0 : i32
    %dma_start3A_12 = arith.constant 0 : i32
    %dma_start3A_13 = tpu.memref_slice %arg9[%dma_start3A_12] : memref<48xi32, #tpu.memory_space<vmem>> -> memref<16xi32, #tpu.memory_space<vmem>>
    %dma_start3A_14 = tpu.memref_slice %arg5[%dma_start3A_11, %mul3A_2] : memref<3x512xi32, #tpu.memory_space<hbm>> -> memref<1x16xi32, #tpu.memory_space<hbm>>
    %dma_start3A_15 = tpu.memref_squeeze %dma_start3A_14 : memref<1x16xi32, #tpu.memory_space<hbm>> -> memref<16xi32, #tpu.memory_space<hbm>>
    %dma_start3A_16 = arith.constant 0 : i32
    %dma_start3A_17 = tpu.memref_slice %arg9[%dma_start3A_16] : memref<48xi32, #tpu.memory_space<vmem>> -> memref<16xi32, #tpu.memory_space<vmem>>
    %dma_start3A_18 = tpu.memref_slice %arg5[%dma_start3A_11, %mul3A_2] : memref<3x512xi32, #tpu.memory_space<hbm>> -> memref<1x16xi32, #tpu.memory_space<hbm>>
    %dma_start3A_19 = tpu.memref_squeeze %dma_start3A_18 : memref<1x16xi32, #tpu.memory_space<hbm>> -> memref<16xi32, #tpu.memory_space<hbm>>
    tpu.enqueue_dma source(%dma_start3A_19 : memref<16xi32, #tpu.memory_space<hbm>>) target(%dma_start3A_17 : memref<16xi32, #tpu.memory_space<vmem>>) target_semaphore(%arg12 : memref<!tpu.dma_semaphore, #tpu.memory_space<semaphore_mem>>)
    %dma_start3A_20 = arith.constant 1 : i32
    %dma_start3A_21 = arith.constant 16 : i32
    %dma_start3A_22 = tpu.memref_slice %arg8[%dma_start3A_21] : memref<48xi32, #tpu.memory_space<vmem>> -> memref<16xi32, #tpu.memory_space<vmem>>
    %dma_start3A_23 = tpu.memref_slice %arg4[%dma_start3A_20, %mul3A_2] : memref<3x512xi32, #tpu.memory_space<hbm>> -> memref<1x16xi32, #tpu.memory_space<hbm>>
    %dma_start3A_24 = tpu.memref_squeeze %dma_start3A_23 : memref<1x16xi32, #tpu.memory_space<hbm>> -> memref<16xi32, #tpu.memory_space<hbm>>
    %dma_start3A_25 = arith.constant 16 : i32
    %dma_start3A_26 = tpu.memref_slice %arg8[%dma_start3A_25] : memref<48xi32, #tpu.memory_space<vmem>> -> memref<16xi32, #tpu.memory_space<vmem>>
    %dma_start3A_27 = tpu.memref_slice %arg4[%dma_start3A_20, %mul3A_2] : memref<3x512xi32, #tpu.memory_space<hbm>> -> memref<1x16xi32, #tpu.memory_space<hbm>>
    %dma_start3A_28 = tpu.memref_squeeze %dma_start3A_27 : memref<1x16xi32, #tpu.memory_space<hbm>> -> memref<16xi32, #tpu.memory_space<hbm>>
    tpu.enqueue_dma source(%dma_start3A_28 : memref<16xi32, #tpu.memory_space<hbm>>) target(%dma_start3A_26 : memref<16xi32, #tpu.memory_space<vmem>>) target_semaphore(%arg12 : memref<!tpu.dma_semaphore, #tpu.memory_space<semaphore_mem>>)
    %dma_start3A_29 = arith.constant 1 : i32
    %dma_start3A_30 = arith.constant 16 : i32
    %dma_start3A_31 = tpu.memref_slice %arg9[%dma_start3A_30] : memref<48xi32, #tpu.memory_space<vmem>> -> memref<16xi32, #tpu.memory_space<vmem>>
    %dma_start3A_32 = tpu.memref_slice %arg5[%dma_start3A_29, %mul3A_2] : memref<3x512xi32, #tpu.memory_space<hbm>> -> memref<1x16xi32, #tpu.memory_space<hbm>>
    %dma_start3A_33 = tpu.memref_squeeze %dma_start3A_32 : memref<1x16xi32, #tpu.memory_space<hbm>> -> memref<16xi32, #tpu.memory_space<hbm>>
    %dma_start3A_34 = arith.constant 16 : i32
    %dma_start3A_35 = tpu.memref_slice %arg9[%dma_start3A_34] : memref<48xi32, #tpu.memory_space<vmem>> -> memref<16xi32, #tpu.memory_space<vmem>>
    %dma_start3A_36 = tpu.memref_slice %arg5[%dma_start3A_29, %mul3A_2] : memref<3x512xi32, #tpu.memory_space<hbm>> -> memref<1x16xi32, #tpu.memory_space<hbm>>
    %dma_start3A_37 = tpu.memref_squeeze %dma_start3A_36 : memref<1x16xi32, #tpu.memory_space<hbm>> -> memref<16xi32, #tpu.memory_space<hbm>>
    tpu.enqueue_dma source(%dma_start3A_37 : memref<16xi32, #tpu.memory_space<hbm>>) target(%dma_start3A_35 : memref<16xi32, #tpu.memory_space<vmem>>) target_semaphore(%arg12 : memref<!tpu.dma_semaphore, #tpu.memory_space<semaphore_mem>>)
    %dma_start3A_38 = arith.constant 2 : i32
    %dma_start3A_39 = arith.constant 32 : i32
    %dma_start3A_40 = tpu.memref_slice %arg8[%dma_start3A_39] : memref<48xi32, #tpu.memory_space<vmem>> -> memref<16xi32, #tpu.memory_space<vmem>>
    %dma_start3A_41 = tpu.memref_slice %arg4[%dma_start3A_38, %mul3A_2] : memref<3x512xi32, #tpu.memory_space<hbm>> -> memref<1x16xi32, #tpu.memory_space<hbm>>
    %dma_start3A_42 = tpu.memref_squeeze %dma_start3A_41 : memref<1x16xi32, #tpu.memory_space<hbm>> -> memref<16xi32, #tpu.memory_space<hbm>>
    %dma_start3A_43 = arith.constant 32 : i32
    %dma_start3A_44 = tpu.memref_slice %arg8[%dma_start3A_43] : memref<48xi32, #tpu.memory_space<vmem>> -> memref<16xi32, #tpu.memory_space<vmem>>
    %dma_start3A_45 = tpu.memref_slice %arg4[%dma_start3A_38, %mul3A_2] : memref<3x512xi32, #tpu.memory_space<hbm>> -> memref<1x16xi32, #tpu.memory_space<hbm>>
    %dma_start3A_46 = tpu.memref_squeeze %dma_start3A_45 : memref<1x16xi32, #tpu.memory_space<hbm>> -> memref<16xi32, #tpu.memory_space<hbm>>
    tpu.enqueue_dma source(%dma_start3A_46 : memref<16xi32, #tpu.memory_space<hbm>>) target(%dma_start3A_44 : memref<16xi32, #tpu.memory_space<vmem>>) target_semaphore(%arg12 : memref<!tpu.dma_semaphore, #tpu.memory_space<semaphore_mem>>)
    %dma_start3A_47 = arith.constant 2 : i32
    %dma_start3A_48 = arith.constant 32 : i32
    %dma_start3A_49 = tpu.memref_slice %arg9[%dma_start3A_48] : memref<48xi32, #tpu.memory_space<vmem>> -> memref<16xi32, #tpu.memory_space<vmem>>
    %dma_start3A_50 = tpu.memref_slice %arg5[%dma_start3A_47, %mul3A_2] : memref<3x512xi32, #tpu.memory_space<hbm>> -> memref<1x16xi32, #tpu.memory_space<hbm>>
    %dma_start3A_51 = tpu.memref_squeeze %dma_start3A_50 : memref<1x16xi32, #tpu.memory_space<hbm>> -> memref<16xi32, #tpu.memory_space<hbm>>
    %dma_start3A_52 = arith.constant 32 : i32
    %dma_start3A_53 = tpu.memref_slice %arg9[%dma_start3A_52] : memref<48xi32, #tpu.memory_space<vmem>> -> memref<16xi32, #tpu.memory_space<vmem>>
    %dma_start3A_54 = tpu.memref_slice %arg5[%dma_start3A_47, %mul3A_2] : memref<3x512xi32, #tpu.memory_space<hbm>> -> memref<1x16xi32, #tpu.memory_space<hbm>>
    %dma_start3A_55 = tpu.memref_squeeze %dma_start3A_54 : memref<1x16xi32, #tpu.memory_space<hbm>> -> memref<16xi32, #tpu.memory_space<hbm>>
    tpu.enqueue_dma source(%dma_start3A_55 : memref<16xi32, #tpu.memory_space<hbm>>) target(%dma_start3A_53 : memref<16xi32, #tpu.memory_space<vmem>>) target_semaphore(%arg12 : memref<!tpu.dma_semaphore, #tpu.memory_space<semaphore_mem>>)
    %dma_wait3A = arith.constant 0 : i32
    %dma_wait3A_56 = arith.constant 0 : i32
    %dma_wait3A_57 = tpu.memref_slice %arg8[%dma_wait3A_56] : memref<48xi32, #tpu.memory_space<vmem>> -> memref<16xi32, #tpu.memory_space<vmem>>
    %dma_wait3A_58 = tpu.memref_slice %arg4[%dma_wait3A, %mul3A_2] : memref<3x512xi32, #tpu.memory_space<hbm>> -> memref<1x16xi32, #tpu.memory_space<hbm>>
    %dma_wait3A_59 = tpu.memref_squeeze %dma_wait3A_58 : memref<1x16xi32, #tpu.memory_space<hbm>> -> memref<16xi32, #tpu.memory_space<hbm>>
    %dma_wait3A_60 = arith.constant 0 : i32
    %dma_wait3A_61 = tpu.memref_slice %arg8[%dma_wait3A_60] : memref<48xi32, #tpu.memory_space<vmem>> -> memref<16xi32, #tpu.memory_space<vmem>>
    %dma_wait3A_62 = tpu.memref_slice %arg4[%dma_wait3A, %mul3A_2] : memref<3x512xi32, #tpu.memory_space<hbm>> -> memref<1x16xi32, #tpu.memory_space<hbm>>
    %dma_wait3A_63 = tpu.memref_squeeze %dma_wait3A_62 : memref<1x16xi32, #tpu.memory_space<hbm>> -> memref<16xi32, #tpu.memory_space<hbm>>
    tpu.wait_dma2 semaphore(%arg12 : memref<!tpu.dma_semaphore, #tpu.memory_space<semaphore_mem>>) src(%dma_wait3A_63 : memref<16xi32, #tpu.memory_space<hbm>>) dst(%dma_wait3A_61 : memref<16xi32, #tpu.memory_space<vmem>>)
    %dma_wait3A_64 = arith.constant 0 : i32
    %dma_wait3A_65 = arith.constant 0 : i32
    %dma_wait3A_66 = tpu.memref_slice %arg9[%dma_wait3A_65] : memref<48xi32, #tpu.memory_space<vmem>> -> memref<16xi32, #tpu.memory_space<vmem>>
    %dma_wait3A_67 = tpu.memref_slice %arg5[%dma_wait3A_64, %mul3A_2] : memref<3x512xi32, #tpu.memory_space<hbm>> -> memref<1x16xi32, #tpu.memory_space<hbm>>
    %dma_wait3A_68 = tpu.memref_squeeze %dma_wait3A_67 : memref<1x16xi32, #tpu.memory_space<hbm>> -> memref<16xi32, #tpu.memory_space<hbm>>
    %dma_wait3A_69 = arith.constant 0 : i32
    %dma_wait3A_70 = tpu.memref_slice %arg9[%dma_wait3A_69] : memref<48xi32, #tpu.memory_space<vmem>> -> memref<16xi32, #tpu.memory_space<vmem>>
    %dma_wait3A_71 = tpu.memref_slice %arg5[%dma_wait3A_64, %mul3A_2] : memref<3x512xi32, #tpu.memory_space<hbm>> -> memref<1x16xi32, #tpu.memory_space<hbm>>
    %dma_wait3A_72 = tpu.memref_squeeze %dma_wait3A_71 : memref<1x16xi32, #tpu.memory_space<hbm>> -> memref<16xi32, #tpu.memory_space<hbm>>
    tpu.wait_dma2 semaphore(%arg12 : memref<!tpu.dma_semaphore, #tpu.memory_space<semaphore_mem>>) src(%dma_wait3A_72 : memref<16xi32, #tpu.memory_space<hbm>>) dst(%dma_wait3A_70 : memref<16xi32, #tpu.memory_space<vmem>>)
    %dma_wait3A_73 = arith.constant 1 : i32
    %dma_wait3A_74 = arith.constant 16 : i32
    %dma_wait3A_75 = tpu.memref_slice %arg8[%dma_wait3A_74] : memref<48xi32, #tpu.memory_space<vmem>> -> memref<16xi32, #tpu.memory_space<vmem>>
    %dma_wait3A_76 = tpu.memref_slice %arg4[%dma_wait3A_73, %mul3A_2] : memref<3x512xi32, #tpu.memory_space<hbm>> -> memref<1x16xi32, #tpu.memory_space<hbm>>
    %dma_wait3A_77 = tpu.memref_squeeze %dma_wait3A_76 : memref<1x16xi32, #tpu.memory_space<hbm>> -> memref<16xi32, #tpu.memory_space<hbm>>
    %dma_wait3A_78 = arith.constant 16 : i32
    %dma_wait3A_79 = tpu.memref_slice %arg8[%dma_wait3A_78] : memref<48xi32, #tpu.memory_space<vmem>> -> memref<16xi32, #tpu.memory_space<vmem>>
    %dma_wait3A_80 = tpu.memref_slice %arg4[%dma_wait3A_73, %mul3A_2] : memref<3x512xi32, #tpu.memory_space<hbm>> -> memref<1x16xi32, #tpu.memory_space<hbm>>
    %dma_wait3A_81 = tpu.memref_squeeze %dma_wait3A_80 : memref<1x16xi32, #tpu.memory_space<hbm>> -> memref<16xi32, #tpu.memory_space<hbm>>
    tpu.wait_dma2 semaphore(%arg12 : memref<!tpu.dma_semaphore, #tpu.memory_space<semaphore_mem>>) src(%dma_wait3A_81 : memref<16xi32, #tpu.memory_space<hbm>>) dst(%dma_wait3A_79 : memref<16xi32, #tpu.memory_space<vmem>>)
    %dma_wait3A_82 = arith.constant 1 : i32
    %dma_wait3A_83 = arith.constant 16 : i32
    %dma_wait3A_84 = tpu.memref_slice %arg9[%dma_wait3A_83] : memref<48xi32, #tpu.memory_space<vmem>> -> memref<16xi32, #tpu.memory_space<vmem>>
    %dma_wait3A_85 = tpu.memref_slice %arg5[%dma_wait3A_82, %mul3A_2] : memref<3x512xi32, #tpu.memory_space<hbm>> -> memref<1x16xi32, #tpu.memory_space<hbm>>
    %dma_wait3A_86 = tpu.memref_squeeze %dma_wait3A_85 : memref<1x16xi32, #tpu.memory_space<hbm>> -> memref<16xi32, #tpu.memory_space<hbm>>
    %dma_wait3A_87 = arith.constant 16 : i32
    %dma_wait3A_88 = tpu.memref_slice %arg9[%dma_wait3A_87] : memref<48xi32, #tpu.memory_space<vmem>> -> memref<16xi32, #tpu.memory_space<vmem>>
    %dma_wait3A_89 = tpu.memref_slice %arg5[%dma_wait3A_82, %mul3A_2] : memref<3x512xi32, #tpu.memory_space<hbm>> -> memref<1x16xi32, #tpu.memory_space<hbm>>
    %dma_wait3A_90 = tpu.memref_squeeze %dma_wait3A_89 : memref<1x16xi32, #tpu.memory_space<hbm>> -> memref<16xi32, #tpu.memory_space<hbm>>
    tpu.wait_dma2 semaphore(%arg12 : memref<!tpu.dma_semaphore, #tpu.memory_space<semaphore_mem>>) src(%dma_wait3A_90 : memref<16xi32, #tpu.memory_space<hbm>>) dst(%dma_wait3A_88 : memref<16xi32, #tpu.memory_space<vmem>>)
    %dma_wait3A_91 = arith.constant 2 : i32
    %dma_wait3A_92 = arith.constant 32 : i32
    %dma_wait3A_93 = tpu.memref_slice %arg8[%dma_wait3A_92] : memref<48xi32, #tpu.memory_space<vmem>> -> memref<16xi32, #tpu.memory_space<vmem>>
    %dma_wait3A_94 = tpu.memref_slice %arg4[%dma_wait3A_91, %mul3A_2] : memref<3x512xi32, #tpu.memory_space<hbm>> -> memref<1x16xi32, #tpu.memory_space<hbm>>
    %dma_wait3A_95 = tpu.memref_squeeze %dma_wait3A_94 : memref<1x16xi32, #tpu.memory_space<hbm>> -> memref<16xi32, #tpu.memory_space<hbm>>
    %dma_wait3A_96 = arith.constant 32 : i32
    %dma_wait3A_97 = tpu.memref_slice %arg8[%dma_wait3A_96] : memref<48xi32, #tpu.memory_space<vmem>> -> memref<16xi32, #tpu.memory_space<vmem>>
    %dma_wait3A_98 = tpu.memref_slice %arg4[%dma_wait3A_91, %mul3A_2] : memref<3x512xi32, #tpu.memory_space<hbm>> -> memref<1x16xi32, #tpu.memory_space<hbm>>
    %dma_wait3A_99 = tpu.memref_squeeze %dma_wait3A_98 : memref<1x16xi32, #tpu.memory_space<hbm>> -> memref<16xi32, #tpu.memory_space<hbm>>
    tpu.wait_dma2 semaphore(%arg12 : memref<!tpu.dma_semaphore, #tpu.memory_space<semaphore_mem>>) src(%dma_wait3A_99 : memref<16xi32, #tpu.memory_space<hbm>>) dst(%dma_wait3A_97 : memref<16xi32, #tpu.memory_space<vmem>>)
    %dma_wait3A_100 = arith.constant 2 : i32
    %dma_wait3A_101 = arith.constant 32 : i32
    %dma_wait3A_102 = tpu.memref_slice %arg9[%dma_wait3A_101] : memref<48xi32, #tpu.memory_space<vmem>> -> memref<16xi32, #tpu.memory_space<vmem>>
    %dma_wait3A_103 = tpu.memref_slice %arg5[%dma_wait3A_100, %mul3A_2] : memref<3x512xi32, #tpu.memory_space<hbm>> -> memref<1x16xi32, #tpu.memory_space<hbm>>
    %dma_wait3A_104 = tpu.memref_squeeze %dma_wait3A_103 : memref<1x16xi32, #tpu.memory_space<hbm>> -> memref<16xi32, #tpu.memory_space<hbm>>
    %dma_wait3A_105 = arith.constant 32 : i32
    %dma_wait3A_106 = tpu.memref_slice %arg9[%dma_wait3A_105] : memref<48xi32, #tpu.memory_space<vmem>> -> memref<16xi32, #tpu.memory_space<vmem>>
    %dma_wait3A_107 = tpu.memref_slice %arg5[%dma_wait3A_100, %mul3A_2] : memref<3x512xi32, #tpu.memory_space<hbm>> -> memref<1x16xi32, #tpu.memory_space<hbm>>
    %dma_wait3A_108 = tpu.memref_squeeze %dma_wait3A_107 : memref<1x16xi32, #tpu.memory_space<hbm>> -> memref<16xi32, #tpu.memory_space<hbm>>
    tpu.wait_dma2 semaphore(%arg12 : memref<!tpu.dma_semaphore, #tpu.memory_space<semaphore_mem>>) src(%dma_wait3A_108 : memref<16xi32, #tpu.memory_space<hbm>>) dst(%dma_wait3A_106 : memref<16xi32, #tpu.memory_space<vmem>>)
    %get3A = arith.constant 16 : index
    %get3A_109 = tpu.vector_load %arg8[%get3A] {strides = array<i32>} : memref<48xi32, #tpu.memory_space<vmem>>, vector<16xi32>,
    %get3A_110 = vector.shape_cast %get3A_109 : vector<16xi32> to vector<16xi32>
    %add3A_111 = arith.constant 1024 : i32
    %add3A_112 = vector.broadcast %add3A_111 : i32 to vector<16xi32>
    %add3A_113 = arith.addi %get3A_110, %add3A_112 : vector<16xi32>
    %swap3A = arith.constant 16 : index
    %swap3A_114 = tpu.vector_load %arg8[%swap3A] {strides = array<i32>} : memref<48xi32, #tpu.memory_space<vmem>>, vector<16xi32>,
    %swap3A_115 = vector.shape_cast %swap3A_114 : vector<16xi32> to vector<16xi32>
    %swap3A_116 = vector.shape_cast %add3A_113 : vector<16xi32> to vector<16xi32>
    tpu.vector_store %arg8[%swap3A], %swap3A_116 {strides = array<i32>} : memref<48xi32, #tpu.memory_space<vmem>>, vector<16xi32>,
    %get3A_117 = arith.constant 16 : index
    %get3A_118 = tpu.vector_load %arg9[%get3A_117] {strides = array<i32>} : memref<48xi32, #tpu.memory_space<vmem>>, vector<16xi32>,
    %get3A_119 = vector.shape_cast %get3A_118 : vector<16xi32> to vector<16xi32>
    %add3A_120 = arith.constant 1024 : i32
    %add3A_121 = vector.broadcast %add3A_120 : i32 to vector<16xi32>
    %add3A_122 = arith.addi %get3A_119, %add3A_121 : vector<16xi32>
    %swap3A_123 = arith.constant 16 : index
    %swap3A_124 = tpu.vector_load %arg9[%swap3A_123] {strides = array<i32>} : memref<48xi32, #tpu.memory_space<vmem>>, vector<16xi32>,
    %swap3A_125 = vector.shape_cast %swap3A_124 : vector<16xi32> to vector<16xi32>
    %swap3A_126 = vector.shape_cast %add3A_122 : vector<16xi32> to vector<16xi32>
    tpu.vector_store %arg9[%swap3A_123], %swap3A_126 {strides = array<i32>} : memref<48xi32, #tpu.memory_space<vmem>>, vector<16xi32>,
    %get3A_127 = arith.constant 32 : index
    %get3A_128 = tpu.vector_load %arg8[%get3A_127] {strides = array<i32>} : memref<48xi32, #tpu.memory_space<vmem>>, vector<16xi32>,
    %get3A_129 = vector.shape_cast %get3A_128 : vector<16xi32> to vector<16xi32>
    %add3A_130 = arith.constant 2048 : i32
    %add3A_131 = vector.broadcast %add3A_130 : i32 to vector<16xi32>
    %add3A_132 = arith.addi %get3A_129, %add3A_131 : vector<16xi32>
    %swap3A_133 = arith.constant 32 : index
    %swap3A_134 = tpu.vector_load %arg8[%swap3A_133] {strides = array<i32>} : memref<48xi32, #tpu.memory_space<vmem>>, vector<16xi32>,
    %swap3A_135 = vector.shape_cast %swap3A_134 : vector<16xi32> to vector<16xi32>
    %swap3A_136 = vector.shape_cast %add3A_132 : vector<16xi32> to vector<16xi32>
    tpu.vector_store %arg8[%swap3A_133], %swap3A_136 {strides = array<i32>} : memref<48xi32, #tpu.memory_space<vmem>>, vector<16xi32>,
    %get3A_137 = arith.constant 32 : index
    %get3A_138 = tpu.vector_load %arg9[%get3A_137] {strides = array<i32>} : memref<48xi32, #tpu.memory_space<vmem>>, vector<16xi32>,
    %get3A_139 = vector.shape_cast %get3A_138 : vector<16xi32> to vector<16xi32>
    %add3A_140 = arith.constant 2048 : i32
    %add3A_141 = vector.broadcast %add3A_140 : i32 to vector<16xi32>
    %add3A_142 = arith.addi %get3A_139, %add3A_141 : vector<16xi32>
    %swap3A_143 = arith.constant 32 : index
    %swap3A_144 = tpu.vector_load %arg9[%swap3A_143] {strides = array<i32>} : memref<48xi32, #tpu.memory_space<vmem>>, vector<16xi32>,
    %swap3A_145 = vector.shape_cast %swap3A_144 : vector<16xi32> to vector<16xi32>
    %swap3A_146 = vector.shape_cast %add3A_142 : vector<16xi32> to vector<16xi32>
    tpu.vector_store %arg9[%swap3A_143], %swap3A_146 {strides = array<i32>} : memref<48xi32, #tpu.memory_space<vmem>>, vector<16xi32>,
    %dma_start3A_147 = arith.constant 0 : i32
    %dma_start3A_148 = arith.constant 0 : i32
    %dma_start3A_149 = tpu.memref_slice %arg2[%dma_start3A_147, %dma_start3A_148] : memref<3072x128xf32, #tpu.memory_space<hbm>> -> memref<3072x128xf32, #tpu.memory_space<hbm>>
    tpu.enqueue_indirect_dma source(%dma_start3A_149 : memref<3072x128xf32, #tpu.memory_space<hbm>>) target(%arg10 : memref<48x128xf32, #tpu.memory_space<vmem>>) offsets(%arg8 : memref<48xi32, #tpu.memory_space<vmem>>) semaphore(%arg13 : memref<!tpu.dma_semaphore, #tpu.memory_space<semaphore_mem>>)
    %dma_start3A_150 = arith.constant 0 : i32
    %dma_start3A_151 = arith.constant 0 : i32
    %dma_start3A_152 = tpu.memref_slice %arg3[%dma_start3A_150, %dma_start3A_151] : memref<3072x128xf32, #tpu.memory_space<hbm>> -> memref<3072x128xf32, #tpu.memory_space<hbm>>
    tpu.enqueue_indirect_dma source(%dma_start3A_152 : memref<3072x128xf32, #tpu.memory_space<hbm>>) target(%arg11 : memref<48x128xf32, #tpu.memory_space<vmem>>) offsets(%arg9 : memref<48xi32, #tpu.memory_space<vmem>>) semaphore(%arg13 : memref<!tpu.dma_semaphore, #tpu.memory_space<semaphore_mem>>)
    %dma_wait3A_153 = arith.constant 0 : i32
    %dma_wait3A_154 = arith.constant 0 : i32
    %dma_wait3A_155 = tpu.memref_slice %arg2[%dma_wait3A_153, %dma_wait3A_154] : memref<3072x128xf32, #tpu.memory_space<hbm>> -> memref<3072x128xf32, #tpu.memory_space<hbm>>
    tpu.wait_indirect_dma semaphore(%arg13 : memref<!tpu.dma_semaphore, #tpu.memory_space<semaphore_mem>>) src(%dma_wait3A_155 : memref<3072x128xf32, #tpu.memory_space<hbm>>) dst(%arg10 : memref<48x128xf32, #tpu.memory_space<vmem>>)
    %dma_start3A_156 = arith.constant 0 : i32
    %dma_start3A_157 = arith.constant 0 : i32
    %dma_start3A_158 = arith.constant 0 : i32
    %dma_start3A_159 = tpu.memref_slice %arg10[%dma_start3A_157, %dma_start3A_158] : memref<48x128xf32, #tpu.memory_space<vmem>> -> memref<16x128xf32, #tpu.memory_space<vmem>>
    %dma_start3A_160 = arith.constant 0 : i32
    %dma_start3A_161 = tpu.memref_slice %arg6[%dma_start3A_156, %mul3A_2, %dma_start3A_160] : memref<3x512x128xf32, #tpu.memory_space<hbm>> -> memref<1x16x128xf32, #tpu.memory_space<hbm>>
    %dma_start3A_162 = tpu.memref_squeeze %dma_start3A_161 : memref<1x16x128xf32, #tpu.memory_space<hbm>> -> memref<16x128xf32, #tpu.memory_space<hbm>>
    %dma_start3A_163 = arith.constant 0 : i32
    %dma_start3A_164 = tpu.memref_slice %arg6[%dma_start3A_156, %mul3A_2, %dma_start3A_163] : memref<3x512x128xf32, #tpu.memory_space<hbm>> -> memref<1x16x128xf32, #tpu.memory_space<hbm>>
    %dma_start3A_165 = tpu.memref_squeeze %dma_start3A_164 : memref<1x16x128xf32, #tpu.memory_space<hbm>> -> memref<16x128xf32, #tpu.memory_space<hbm>>
    %dma_start3A_166 = arith.constant 0 : i32
    %dma_start3A_167 = arith.constant 0 : i32
    %dma_start3A_168 = tpu.memref_slice %arg10[%dma_start3A_166, %dma_start3A_167] : memref<48x128xf32, #tpu.memory_space<vmem>> -> memref<16x128xf32, #tpu.memory_space<vmem>>
    tpu.enqueue_dma source(%dma_start3A_168 : memref<16x128xf32, #tpu.memory_space<vmem>>) target(%dma_start3A_165 : memref<16x128xf32, #tpu.memory_space<hbm>>) target_semaphore(%arg14 : memref<!tpu.dma_semaphore, #tpu.memory_space<semaphore_mem>>)
    %dma_start3A_169 = arith.constant 1 : i32
    %dma_start3A_170 = arith.constant 16 : i32
    %dma_start3A_171 = arith.constant 0 : i32
    %dma_start3A_172 = tpu.memref_slice %arg10[%dma_start3A_170, %dma_start3A_171] : memref<48x128xf32, #tpu.memory_space<vmem>> -> memref<16x128xf32, #tpu.memory_space<vmem>>
    %dma_start3A_173 = arith.constant 0 : i32
    %dma_start3A_174 = tpu.memref_slice %arg6[%dma_start3A_169, %mul3A_2, %dma_start3A_173] : memref<3x512x128xf32, #tpu.memory_space<hbm>> -> memref<1x16x128xf32, #tpu.memory_space<hbm>>
    %dma_start3A_175 = tpu.memref_squeeze %dma_start3A_174 : memref<1x16x128xf32, #tpu.memory_space<hbm>> -> memref<16x128xf32, #tpu.memory_space<hbm>>
    %dma_start3A_176 = arith.constant 0 : i32
    %dma_start3A_177 = tpu.memref_slice %arg6[%dma_start3A_169, %mul3A_2, %dma_start3A_176] : memref<3x512x128xf32, #tpu.memory_space<hbm>> -> memref<1x16x128xf32, #tpu.memory_space<hbm>>
    %dma_start3A_178 = tpu.memref_squeeze %dma_start3A_177 : memref<1x16x128xf32, #tpu.memory_space<hbm>> -> memref<16x128xf32, #tpu.memory_space<hbm>>
    %dma_start3A_179 = arith.constant 16 : i32
    %dma_start3A_180 = arith.constant 0 : i32
    %dma_start3A_181 = tpu.memref_slice %arg10[%dma_start3A_179, %dma_start3A_180] : memref<48x128xf32, #tpu.memory_space<vmem>> -> memref<16x128xf32, #tpu.memory_space<vmem>>
    tpu.enqueue_dma source(%dma_start3A_181 : memref<16x128xf32, #tpu.memory_space<vmem>>) target(%dma_start3A_178 : memref<16x128xf32, #tpu.memory_space<hbm>>) target_semaphore(%arg14 : memref<!tpu.dma_semaphore, #tpu.memory_space<semaphore_mem>>)
    %dma_start3A_182 = arith.constant 2 : i32
    %dma_start3A_183 = arith.constant 32 : i32
    %dma_start3A_184 = arith.constant 0 : i32
    %dma_start3A_185 = tpu.memref_slice %arg10[%dma_start3A_183, %dma_start3A_184] : memref<48x128xf32, #tpu.memory_space<vmem>> -> memref<16x128xf32, #tpu.memory_space<vmem>>
    %dma_start3A_186 = arith.constant 0 : i32
    %dma_start3A_187 = tpu.memref_slice %arg6[%dma_start3A_182, %mul3A_2, %dma_start3A_186] : memref<3x512x128xf32, #tpu.memory_space<hbm>> -> memref<1x16x128xf32, #tpu.memory_space<hbm>>
    %dma_start3A_188 = tpu.memref_squeeze %dma_start3A_187 : memref<1x16x128xf32, #tpu.memory_space<hbm>> -> memref<16x128xf32, #tpu.memory_space<hbm>>
    %dma_start3A_189 = arith.constant 0 : i32
    %dma_start3A_190 = tpu.memref_slice %arg6[%dma_start3A_182, %mul3A_2, %dma_start3A_189] : memref<3x512x128xf32, #tpu.memory_space<hbm>> -> memref<1x16x128xf32, #tpu.memory_space<hbm>>
    %dma_start3A_191 = tpu.memref_squeeze %dma_start3A_190 : memref<1x16x128xf32, #tpu.memory_space<hbm>> -> memref<16x128xf32, #tpu.memory_space<hbm>>
    %dma_start3A_192 = arith.constant 32 : i32
    %dma_start3A_193 = arith.constant 0 : i32
    %dma_start3A_194 = tpu.memref_slice %arg10[%dma_start3A_192, %dma_start3A_193] : memref<48x128xf32, #tpu.memory_space<vmem>> -> memref<16x128xf32, #tpu.memory_space<vmem>>
    tpu.enqueue_dma source(%dma_start3A_194 : memref<16x128xf32, #tpu.memory_space<vmem>>) target(%dma_start3A_191 : memref<16x128xf32, #tpu.memory_space<hbm>>) target_semaphore(%arg14 : memref<!tpu.dma_semaphore, #tpu.memory_space<semaphore_mem>>)
    %dma_wait3A_195 = arith.constant 0 : i32
    %dma_wait3A_196 = arith.constant 0 : i32
    %dma_wait3A_197 = tpu.memref_slice %arg3[%dma_wait3A_195, %dma_wait3A_196] : memref<3072x128xf32, #tpu.memory_space<hbm>> -> memref<3072x128xf32, #tpu.memory_space<hbm>>
    tpu.wait_indirect_dma semaphore(%arg13 : memref<!tpu.dma_semaphore, #tpu.memory_space<semaphore_mem>>) src(%dma_wait3A_197 : memref<3072x128xf32, #tpu.memory_space<hbm>>) dst(%arg11 : memref<48x128xf32, #tpu.memory_space<vmem>>)
    %dma_start3A_198 = arith.constant 0 : i32
    %dma_start3A_199 = arith.constant 0 : i32
    %dma_start3A_200 = arith.constant 0 : i32
    %dma_start3A_201 = tpu.memref_slice %arg11[%dma_start3A_199, %dma_start3A_200] : memref<48x128xf32, #tpu.memory_space<vmem>> -> memref<16x128xf32, #tpu.memory_space<vmem>>
    %dma_start3A_202 = arith.constant 0 : i32
    %dma_start3A_203 = tpu.memref_slice %arg7[%dma_start3A_198, %mul3A_2, %dma_start3A_202] : memref<3x512x128xf32, #tpu.memory_space<hbm>> -> memref<1x16x128xf32, #tpu.memory_space<hbm>>
    %dma_start3A_204 = tpu.memref_squeeze %dma_start3A_203 : memref<1x16x128xf32, #tpu.memory_space<hbm>> -> memref<16x128xf32, #tpu.memory_space<hbm>>
    %dma_start3A_205 = arith.constant 0 : i32
    %dma_start3A_206 = tpu.memref_slice %arg7[%dma_start3A_198, %mul3A_2, %dma_start3A_205] : memref<3x512x128xf32, #tpu.memory_space<hbm>> -> memref<1x16x128xf32, #tpu.memory_space<hbm>>
    %dma_start3A_207 = tpu.memref_squeeze %dma_start3A_206 : memref<1x16x128xf32, #tpu.memory_space<hbm>> -> memref<16x128xf32, #tpu.memory_space<hbm>>
    %dma_start3A_208 = arith.constant 0 : i32
    %dma_start3A_209 = arith.constant 0 : i32
    %dma_start3A_210 = tpu.memref_slice %arg11[%dma_start3A_208, %dma_start3A_209] : memref<48x128xf32, #tpu.memory_space<vmem>> -> memref<16x128xf32, #tpu.memory_space<vmem>>
    tpu.enqueue_dma source(%dma_start3A_210 : memref<16x128xf32, #tpu.memory_space<vmem>>) target(%dma_start3A_207 : memref<16x128xf32, #tpu.memory_space<hbm>>) target_semaphore(%arg14 : memref<!tpu.dma_semaphore, #tpu.memory_space<semaphore_mem>>)
    %dma_start3A_211 = arith.constant 1 : i32
    %dma_start3A_212 = arith.constant 16 : i32
    %dma_start3A_213 = arith.constant 0 : i32
    %dma_start3A_214 = tpu.memref_slice %arg11[%dma_start3A_212, %dma_start3A_213] : memref<48x128xf32, #tpu.memory_space<vmem>> -> memref<16x128xf32, #tpu.memory_space<vmem>>
    %dma_start3A_215 = arith.constant 0 : i32
    %dma_start3A_216 = tpu.memref_slice %arg7[%dma_start3A_211, %mul3A_2, %dma_start3A_215] : memref<3x512x128xf32, #tpu.memory_space<hbm>> -> memref<1x16x128xf32, #tpu.memory_space<hbm>>
    %dma_start3A_217 = tpu.memref_squeeze %dma_start3A_216 : memref<1x16x128xf32, #tpu.memory_space<hbm>> -> memref<16x128xf32, #tpu.memory_space<hbm>>
    %dma_start3A_218 = arith.constant 0 : i32
    %dma_start3A_219 = tpu.memref_slice %arg7[%dma_start3A_211, %mul3A_2, %dma_start3A_218] : memref<3x512x128xf32, #tpu.memory_space<hbm>> -> memref<1x16x128xf32, #tpu.memory_space<hbm>>
    %dma_start3A_220 = tpu.memref_squeeze %dma_start3A_219 : memref<1x16x128xf32, #tpu.memory_space<hbm>> -> memref<16x128xf32, #tpu.memory_space<hbm>>
    %dma_start3A_221 = arith.constant 16 : i32
    %dma_start3A_222 = arith.constant 0 : i32
    %dma_start3A_223 = tpu.memref_slice %arg11[%dma_start3A_221, %dma_start3A_222] : memref<48x128xf32, #tpu.memory_space<vmem>> -> memref<16x128xf32, #tpu.memory_space<vmem>>
    tpu.enqueue_dma source(%dma_start3A_223 : memref<16x128xf32, #tpu.memory_space<vmem>>) target(%dma_start3A_220 : memref<16x128xf32, #tpu.memory_space<hbm>>) target_semaphore(%arg14 : memref<!tpu.dma_semaphore, #tpu.memory_space<semaphore_mem>>)
    %dma_start3A_224 = arith.constant 2 : i32
    %dma_start3A_225 = arith.constant 32 : i32
    %dma_start3A_226 = arith.constant 0 : i32
    %dma_start3A_227 = tpu.memref_slice %arg11[%dma_start3A_225, %dma_start3A_226] : memref<48x128xf32, #tpu.memory_space<vmem>> -> memref<16x128xf32, #tpu.memory_space<vmem>>
    %dma_start3A_228 = arith.constant 0 : i32
    %dma_start3A_229 = tpu.memref_slice %arg7[%dma_start3A_224, %mul3A_2, %dma_start3A_228] : memref<3x512x128xf32, #tpu.memory_space<hbm>> -> memref<1x16x128xf32, #tpu.memory_space<hbm>>
    %dma_start3A_230 = tpu.memref_squeeze %dma_start3A_229 : memref<1x16x128xf32, #tpu.memory_space<hbm>> -> memref<16x128xf32, #tpu.memory_space<hbm>>
    %dma_start3A_231 = arith.constant 0 : i32
    %dma_start3A_232 = tpu.memref_slice %arg7[%dma_start3A_224, %mul3A_2, %dma_start3A_231] : memref<3x512x128xf32, #tpu.memory_space<hbm>> -> memref<1x16x128xf32, #tpu.memory_space<hbm>>
    %dma_start3A_233 = tpu.memref_squeeze %dma_start3A_232 : memref<1x16x128xf32, #tpu.memory_space<hbm>> -> memref<16x128xf32, #tpu.memory_space<hbm>>
    %dma_start3A_234 = arith.constant 32 : i32
    %dma_start3A_235 = arith.constant 0 : i32
    %dma_start3A_236 = tpu.memref_slice %arg11[%dma_start3A_234, %dma_start3A_235] : memref<48x128xf32, #tpu.memory_space<vmem>> -> memref<16x128xf32, #tpu.memory_space<vmem>>
    tpu.enqueue_dma source(%dma_start3A_236 : memref<16x128xf32, #tpu.memory_space<vmem>>) target(%dma_start3A_233 : memref<16x128xf32, #tpu.memory_space<hbm>>) target_semaphore(%arg14 : memref<!tpu.dma_semaphore, #tpu.memory_space<semaphore_mem>>)
    %dma_wait3A_237 = arith.constant 0 : i32
    %dma_wait3A_238 = arith.constant 0 : i32
    %dma_wait3A_239 = arith.constant 0 : i32
    %dma_wait3A_240 = tpu.memref_slice %arg10[%dma_wait3A_238, %dma_wait3A_239] : memref<48x128xf32, #tpu.memory_space<vmem>> -> memref<16x128xf32, #tpu.memory_space<vmem>>
    %dma_wait3A_241 = arith.constant 0 : i32
    %dma_wait3A_242 = tpu.memref_slice %arg6[%dma_wait3A_237, %mul3A_2, %dma_wait3A_241] : memref<3x512x128xf32, #tpu.memory_space<hbm>> -> memref<1x16x128xf32, #tpu.memory_space<hbm>>
    %dma_wait3A_243 = tpu.memref_squeeze %dma_wait3A_242 : memref<1x16x128xf32, #tpu.memory_space<hbm>> -> memref<16x128xf32, #tpu.memory_space<hbm>>
    %dma_wait3A_244 = arith.constant 0 : i32
    %dma_wait3A_245 = tpu.memref_slice %arg6[%dma_wait3A_237, %mul3A_2, %dma_wait3A_244] : memref<3x512x128xf32, #tpu.memory_space<hbm>> -> memref<1x16x128xf32, #tpu.memory_space<hbm>>
    %dma_wait3A_246 = tpu.memref_squeeze %dma_wait3A_245 : memref<1x16x128xf32, #tpu.memory_space<hbm>> -> memref<16x128xf32, #tpu.memory_space<hbm>>
    %dma_wait3A_247 = arith.constant 0 : i32
    %dma_wait3A_248 = arith.constant 0 : i32
    %dma_wait3A_249 = tpu.memref_slice %arg10[%dma_wait3A_247, %dma_wait3A_248] : memref<48x128xf32, #tpu.memory_space<vmem>> -> memref<16x128xf32, #tpu.memory_space<vmem>>
    tpu.wait_dma2 semaphore(%arg14 : memref<!tpu.dma_semaphore, #tpu.memory_space<semaphore_mem>>) src(%dma_wait3A_249 : memref<16x128xf32, #tpu.memory_space<vmem>>) dst(%dma_wait3A_246 : memref<16x128xf32, #tpu.memory_space<hbm>>)
    %dma_wait3A_250 = arith.constant 1 : i32
    %dma_wait3A_251 = arith.constant 16 : i32
    %dma_wait3A_252 = arith.constant 0 : i32
    %dma_wait3A_253 = tpu.memref_slice %arg10[%dma_wait3A_251, %dma_wait3A_252] : memref<48x128xf32, #tpu.memory_space<vmem>> -> memref<16x128xf32, #tpu.memory_space<vmem>>
    %dma_wait3A_254 = arith.constant 0 : i32
    %dma_wait3A_255 = tpu.memref_slice %arg6[%dma_wait3A_250, %mul3A_2, %dma_wait3A_254] : memref<3x512x128xf32, #tpu.memory_space<hbm>> -> memref<1x16x128xf32, #tpu.memory_space<hbm>>
    %dma_wait3A_256 = tpu.memref_squeeze %dma_wait3A_255 : memref<1x16x128xf32, #tpu.memory_space<hbm>> -> memref<16x128xf32, #tpu.memory_space<hbm>>
    %dma_wait3A_257 = arith.constant 0 : i32
    %dma_wait3A_258 = tpu.memref_slice %arg6[%dma_wait3A_250, %mul3A_2, %dma_wait3A_257] : memref<3x512x128xf32, #tpu.memory_space<hbm>> -> memref<1x16x128xf32, #tpu.memory_space<hbm>>
    %dma_wait3A_259 = tpu.memref_squeeze %dma_wait3A_258 : memref<1x16x128xf32, #tpu.memory_space<hbm>> -> memref<16x128xf32, #tpu.memory_space<hbm>>
    %dma_wait3A_260 = arith.constant 16 : i32
    %dma_wait3A_261 = arith.constant 0 : i32
    %dma_wait3A_262 = tpu.memref_slice %arg10[%dma_wait3A_260, %dma_wait3A_261] : memref<48x128xf32, #tpu.memory_space<vmem>> -> memref<16x128xf32, #tpu.memory_space<vmem>>
    tpu.wait_dma2 semaphore(%arg14 : memref<!tpu.dma_semaphore, #tpu.memory_space<semaphore_mem>>) src(%dma_wait3A_262 : memref<16x128xf32, #tpu.memory_space<vmem>>) dst(%dma_wait3A_259 : memref<16x128xf32, #tpu.memory_space<hbm>>)
    %dma_wait3A_263 = arith.constant 2 : i32
    %dma_wait3A_264 = arith.constant 32 : i32
    %dma_wait3A_265 = arith.constant 0 : i32
    %dma_wait3A_266 = tpu.memref_slice %arg10[%dma_wait3A_264, %dma_wait3A_265] : memref<48x128xf32, #tpu.memory_space<vmem>> -> memref<16x128xf32, #tpu.memory_space<vmem>>
    %dma_wait3A_267 = arith.constant 0 : i32
    %dma_wait3A_268 = tpu.memref_slice %arg6[%dma_wait3A_263, %mul3A_2, %dma_wait3A_267] : memref<3x512x128xf32, #tpu.memory_space<hbm>> -> memref<1x16x128xf32, #tpu.memory_space<hbm>>
    %dma_wait3A_269 = tpu.memref_squeeze %dma_wait3A_268 : memref<1x16x128xf32, #tpu.memory_space<hbm>> -> memref<16x128xf32, #tpu.memory_space<hbm>>
    %dma_wait3A_270 = arith.constant 0 : i32
    %dma_wait3A_271 = tpu.memref_slice %arg6[%dma_wait3A_263, %mul3A_2, %dma_wait3A_270] : memref<3x512x128xf32, #tpu.memory_space<hbm>> -> memref<1x16x128xf32, #tpu.memory_space<hbm>>
    %dma_wait3A_272 = tpu.memref_squeeze %dma_wait3A_271 : memref<1x16x128xf32, #tpu.memory_space<hbm>> -> memref<16x128xf32, #tpu.memory_space<hbm>>
    %dma_wait3A_273 = arith.constant 32 : i32
    %dma_wait3A_274 = arith.constant 0 : i32
    %dma_wait3A_275 = tpu.memref_slice %arg10[%dma_wait3A_273, %dma_wait3A_274] : memref<48x128xf32, #tpu.memory_space<vmem>> -> memref<16x128xf32, #tpu.memory_space<vmem>>
    tpu.wait_dma2 semaphore(%arg14 : memref<!tpu.dma_semaphore, #tpu.memory_space<semaphore_mem>>) src(%dma_wait3A_275 : memref<16x128xf32, #tpu.memory_space<vmem>>) dst(%dma_wait3A_272 : memref<16x128xf32, #tpu.memory_space<hbm>>)
    %dma_wait3A_276 = arith.constant 0 : i32
    %dma_wait3A_277 = arith.constant 0 : i32
    %dma_wait3A_278 = arith.constant 0 : i32
    %dma_wait3A_279 = tpu.memref_slice %arg11[%dma_wait3A_277, %dma_wait3A_278] : memref<48x128xf32, #tpu.memory_space<vmem>> -> memref<16x128xf32, #tpu.memory_space<vmem>>
    %dma_wait3A_280 = arith.constant 0 : i32
    %dma_wait3A_281 = tpu.memref_slice %arg7[%dma_wait3A_276, %mul3A_2, %dma_wait3A_280] : memref<3x512x128xf32, #tpu.memory_space<hbm>> -> memref<1x16x128xf32, #tpu.memory_space<hbm>>
    %dma_wait3A_282 = tpu.memref_squeeze %dma_wait3A_281 : memref<1x16x128xf32, #tpu.memory_space<hbm>> -> memref<16x128xf32, #tpu.memory_space<hbm>>
    %dma_wait3A_283 = arith.constant 0 : i32
    %dma_wait3A_284 = tpu.memref_slice %arg7[%dma_wait3A_276, %mul3A_2, %dma_wait3A_283] : memref<3x512x128xf32, #tpu.memory_space<hbm>> -> memref<1x16x128xf32, #tpu.memory_space<hbm>>
    %dma_wait3A_285 = tpu.memref_squeeze %dma_wait3A_284 : memref<1x16x128xf32, #tpu.memory_space<hbm>> -> memref<16x128xf32, #tpu.memory_space<hbm>>
    %dma_wait3A_286 = arith.constant 0 : i32
    %dma_wait3A_287 = arith.constant 0 : i32
    %dma_wait3A_288 = tpu.memref_slice %arg11[%dma_wait3A_286, %dma_wait3A_287] : memref<48x128xf32, #tpu.memory_space<vmem>> -> memref<16x128xf32, #tpu.memory_space<vmem>>
    tpu.wait_dma2 semaphore(%arg14 : memref<!tpu.dma_semaphore, #tpu.memory_space<semaphore_mem>>) src(%dma_wait3A_288 : memref<16x128xf32, #tpu.memory_space<vmem>>) dst(%dma_wait3A_285 : memref<16x128xf32, #tpu.memory_space<hbm>>)
    %dma_wait3A_289 = arith.constant 1 : i32
    %dma_wait3A_290 = arith.constant 16 : i32
    %dma_wait3A_291 = arith.constant 0 : i32
    %dma_wait3A_292 = tpu.memref_slice %arg11[%dma_wait3A_290, %dma_wait3A_291] : memref<48x128xf32, #tpu.memory_space<vmem>> -> memref<16x128xf32, #tpu.memory_space<vmem>>
    %dma_wait3A_293 = arith.constant 0 : i32
    %dma_wait3A_294 = tpu.memref_slice %arg7[%dma_wait3A_289, %mul3A_2, %dma_wait3A_293] : memref<3x512x128xf32, #tpu.memory_space<hbm>> -> memref<1x16x128xf32, #tpu.memory_space<hbm>>
    %dma_wait3A_295 = tpu.memref_squeeze %dma_wait3A_294 : memref<1x16x128xf32, #tpu.memory_space<hbm>> -> memref<16x128xf32, #tpu.memory_space<hbm>>
    %dma_wait3A_296 = arith.constant 0 : i32
    %dma_wait3A_297 = tpu.memref_slice %arg7[%dma_wait3A_289, %mul3A_2, %dma_wait3A_296] : memref<3x512x128xf32, #tpu.memory_space<hbm>> -> memref<1x16x128xf32, #tpu.memory_space<hbm>>
    %dma_wait3A_298 = tpu.memref_squeeze %dma_wait3A_297 : memref<1x16x128xf32, #tpu.memory_space<hbm>> -> memref<16x128xf32, #tpu.memory_space<hbm>>
    %dma_wait3A_299 = arith.constant 16 : i32
    %dma_wait3A_300 = arith.constant 0 : i32
    %dma_wait3A_301 = tpu.memref_slice %arg11[%dma_wait3A_299, %dma_wait3A_300] : memref<48x128xf32, #tpu.memory_space<vmem>> -> memref<16x128xf32, #tpu.memory_space<vmem>>
    tpu.wait_dma2 semaphore(%arg14 : memref<!tpu.dma_semaphore, #tpu.memory_space<semaphore_mem>>) src(%dma_wait3A_301 : memref<16x128xf32, #tpu.memory_space<vmem>>) dst(%dma_wait3A_298 : memref<16x128xf32, #tpu.memory_space<hbm>>)
    %dma_wait3A_302 = arith.constant 2 : i32
    %dma_wait3A_303 = arith.constant 32 : i32
    %dma_wait3A_304 = arith.constant 0 : i32
    %dma_wait3A_305 = tpu.memref_slice %arg11[%dma_wait3A_303, %dma_wait3A_304] : memref<48x128xf32, #tpu.memory_space<vmem>> -> memref<16x128xf32, #tpu.memory_space<vmem>>
    %dma_wait3A_306 = arith.constant 0 : i32
    %dma_wait3A_307 = tpu.memref_slice %arg7[%dma_wait3A_302, %mul3A_2, %dma_wait3A_306] : memref<3x512x128xf32, #tpu.memory_space<hbm>> -> memref<1x16x128xf32, #tpu.memory_space<hbm>>
    %dma_wait3A_308 = tpu.memref_squeeze %dma_wait3A_307 : memref<1x16x128xf32, #tpu.memory_space<hbm>> -> memref<16x128xf32, #tpu.memory_space<hbm>>
    %dma_wait3A_309 = arith.constant 0 : i32
    %dma_wait3A_310 = tpu.memref_slice %arg7[%dma_wait3A_302, %mul3A_2, %dma_wait3A_309] : memref<3x512x128xf32, #tpu.memory_space<hbm>> -> memref<1x16x128xf32, #tpu.memory_space<hbm>>
    %dma_wait3A_311 = tpu.memref_squeeze %dma_wait3A_310 : memref<1x16x128xf32, #tpu.memory_space<hbm>> -> memref<16x128xf32, #tpu.memory_space<hbm>>
    %dma_wait3A_312 = arith.constant 32 : i32
    %dma_wait3A_313 = arith.constant 0 : i32
    %dma_wait3A_314 = tpu.memref_slice %arg11[%dma_wait3A_312, %dma_wait3A_313] : memref<48x128xf32, #tpu.memory_space<vmem>> -> memref<16x128xf32, #tpu.memory_space<vmem>>
    tpu.wait_dma2 semaphore(%arg14 : memref<!tpu.dma_semaphore, #tpu.memory_space<semaphore_mem>>) src(%dma_wait3A_314 : memref<16x128xf32, #tpu.memory_space<vmem>>) dst(%dma_wait3A_311 : memref<16x128xf32, #tpu.memory_space<hbm>>)
    return
  }
}

module attributes {stable_mosaic.version = 14 : i64} {
  func.func @_tc_body(%arg0: i32, %arg1: memref<1x1024x64xf32, #tpu.memory_space<vmem>>, %arg2: memref<1x1024x64xf32, #tpu.memory_space<vmem>>, %arg3: memref<1x512x128xf32, #tpu.memory_space<vmem>>, %arg4: memref<1x512x128xf32, #tpu.memory_space<vmem>>, %arg5: memref<3x512xf32, #tpu.memory_space<vmem>>, %arg6: memref<1x1xf32, #tpu.memory_space<smem>>, %arg7: memref<3xf32, #tpu.memory_space<smem>>) attributes {dimension_semantics = [#tpu.dimension_semantics<arbitrary>], iteration_bounds = array<i64: 3>, scalar_prefetch = 0 : i64, scratch_operands = 1 : i64, tpu.core_type = #tpu.core_type<tc>, window_params = [{transform_indices = @transform_0, window_bounds = array<i64: 1, 1024, 64>}, {transform_indices = @transform_1, window_bounds = array<i64: 1, 1024, 64>}, {transform_indices = @transform_2, window_bounds = array<i64: 1, 512, 128>}, {transform_indices = @transform_3, window_bounds = array<i64: 1, 512, 128>}, {pipeline_mode = #tpu.pipeline_mode<synchronous>, transform_indices = @transform_4, window_bounds = array<i64: 3, 512>}, {transform_indices = @transform_5, window_bounds = array<i64: 1, 1>}]} {
    %eq3A = arith.constant 0 : i32
    %eq3A_0 = arith.cmpi eq, %arg0, %eq3A : i32
    %convert_element_type3A = arith.extui %eq3A_0 : i1 to i32
    %cond3A = arith.constant 0 : i32
    %cond3A_1 = arith.cmpi ne, %convert_element_type3A, %cond3A : i32
    scf.if %cond3A_1 {
      %swap3A_168 = arith.constant 0.000000e+00 : f32
      %swap3A_169 = arith.constant 0 : index
      %swap3A_170 = memref.load %arg7[%swap3A_169] : memref<3xf32, #tpu.memory_space<smem>>
      memref.store %swap3A_168, %arg7[%swap3A_169] : memref<3xf32, #tpu.memory_space<smem>>
      %swap3A_171 = arith.constant 0.000000e+00 : f32
      %swap3A_172 = arith.constant 1 : index
      %swap3A_173 = memref.load %arg7[%swap3A_172] : memref<3xf32, #tpu.memory_space<smem>>
      memref.store %swap3A_171, %arg7[%swap3A_172] : memref<3xf32, #tpu.memory_space<smem>>
      %swap3A_174 = arith.constant 0.000000e+00 : f32
      %swap3A_175 = arith.constant 2 : index
      %swap3A_176 = memref.load %arg7[%swap3A_175] : memref<3xf32, #tpu.memory_space<smem>>
      memref.store %swap3A_174, %arg7[%swap3A_175] : memref<3xf32, #tpu.memory_space<smem>>
    } else {
    }
    %get3A = arith.constant 0 : index
    %get3A_2 = arith.constant 0 : index
    %get3A_3 = arith.constant 0 : index
    %get3A_4 = vector.load %arg1[%get3A, %get3A_2, %get3A_3] : memref<1x1024x64xf32, #tpu.memory_space<vmem>>, vector<1x1024x64xf32>
    %get3A_5 = vector.shape_cast %get3A_4 : vector<1x1024x64xf32> to vector<1024x64xf32>
    %mul3A = arith.mulf %get3A_5, %get3A_5 : vector<1024x64xf32>
    %reduce_sum3A = arith.constant dense<0.000000e+00> : vector<1024xf32>
    %reduce_sum3A_6 = vector.multi_reduction <add>, %mul3A, %reduce_sum3A [1] : vector<1024x64xf32> to vector<1024xf32>
    %broadcast_in_dim3A = vector.shape_cast %reduce_sum3A_6 : vector<1024xf32> to vector<1024x1xf32>
    %sqrt3A = math.sqrt %broadcast_in_dim3A : vector<1024x1xf32>
    %add3A = arith.constant 9.99999997E-7 : f32
    %add3A_7 = vector.broadcast %add3A : f32 to vector<1024x1xf32>
    %add3A_8 = arith.addf %sqrt3A, %add3A_7 : vector<1024x1xf32>
    %div3A = vector.broadcast %add3A_8 : vector<1024x1xf32> to vector<1024x64xf32>
    %div3A_9 = arith.divf %get3A_5, %div3A : vector<1024x64xf32>
    %get3A_10 = arith.constant 0 : index
    %get3A_11 = arith.constant 0 : index
    %get3A_12 = arith.constant 0 : index
    %get3A_13 = vector.load %arg2[%get3A_10, %get3A_11, %get3A_12] : memref<1x1024x64xf32, #tpu.memory_space<vmem>>, vector<1x1024x64xf32>
    %get3A_14 = vector.shape_cast %get3A_13 : vector<1x1024x64xf32> to vector<1024x64xf32>
    %mul3A_15 = arith.mulf %get3A_14, %get3A_14 : vector<1024x64xf32>
    %reduce_sum3A_16 = arith.constant dense<0.000000e+00> : vector<1024xf32>
    %reduce_sum3A_17 = vector.multi_reduction <add>, %mul3A_15, %reduce_sum3A_16 [1] : vector<1024x64xf32> to vector<1024xf32>
    %broadcast_in_dim3A_18 = vector.shape_cast %reduce_sum3A_17 : vector<1024xf32> to vector<1024x1xf32>
    %sqrt3A_19 = math.sqrt %broadcast_in_dim3A_18 : vector<1024x1xf32>
    %add3A_20 = arith.constant 9.99999997E-7 : f32
    %add3A_21 = vector.broadcast %add3A_20 : f32 to vector<1024x1xf32>
    %add3A_22 = arith.addf %sqrt3A_19, %add3A_21 : vector<1024x1xf32>
    %div3A_23 = vector.broadcast %add3A_22 : vector<1024x1xf32> to vector<1024x64xf32>
    %div3A_24 = arith.divf %get3A_14, %div3A_23 : vector<1024x64xf32>
    %get3A_25 = arith.constant 0 : index
    %get3A_26 = arith.constant 0 : index
    %get3A_27 = arith.constant 0 : index
    %get3A_28 = vector.load %arg3[%get3A_25, %get3A_26, %get3A_27] : memref<1x512x128xf32, #tpu.memory_space<vmem>>, vector<1x512x128xf32>
    %get3A_29 = vector.shape_cast %get3A_28 : vector<1x512x128xf32> to vector<512x128xf32>
    %get3A_30 = arith.constant 0 : index
    %get3A_31 = arith.constant 0 : index
    %get3A_32 = arith.constant 0 : index
    %get3A_33 = vector.load %arg4[%get3A_30, %get3A_31, %get3A_32] : memref<1x512x128xf32, #tpu.memory_space<vmem>>, vector<1x512x128xf32>
    %get3A_34 = vector.shape_cast %get3A_33 : vector<1x512x128xf32> to vector<512x128xf32>
    %slice3A = vector.extract_strided_slice %get3A_29 {offsets = [0, 0], sizes = [512, 64], strides = [1, 1]} : vector<512x128xf32> to vector<512x64xf32>
    %mul3A_35 = arith.mulf %slice3A, %slice3A : vector<512x64xf32>
    %reduce_sum3A_36 = arith.constant dense<0.000000e+00> : vector<512xf32>
    %reduce_sum3A_37 = vector.multi_reduction <add>, %mul3A_35, %reduce_sum3A_36 [1] : vector<512x64xf32> to vector<512xf32>
    %broadcast_in_dim3A_38 = vector.shape_cast %reduce_sum3A_37 : vector<512xf32> to vector<512x1xf32>
    %sqrt3A_39 = math.sqrt %broadcast_in_dim3A_38 : vector<512x1xf32>
    %add3A_40 = arith.constant 9.99999997E-7 : f32
    %add3A_41 = vector.broadcast %add3A_40 : f32 to vector<512x1xf32>
    %add3A_42 = arith.addf %sqrt3A_39, %add3A_41 : vector<512x1xf32>
    %div3A_43 = vector.broadcast %add3A_42 : vector<512x1xf32> to vector<512x64xf32>
    %div3A_44 = arith.divf %slice3A, %div3A_43 : vector<512x64xf32>
    %slice3A_45 = vector.extract_strided_slice %get3A_34 {offsets = [0, 0], sizes = [512, 64], strides = [1, 1]} : vector<512x128xf32> to vector<512x64xf32>
    %mul3A_46 = arith.mulf %slice3A_45, %slice3A_45 : vector<512x64xf32>
    %reduce_sum3A_47 = arith.constant dense<0.000000e+00> : vector<512xf32>
    %reduce_sum3A_48 = vector.multi_reduction <add>, %mul3A_46, %reduce_sum3A_47 [1] : vector<512x64xf32> to vector<512xf32>
    %broadcast_in_dim3A_49 = vector.shape_cast %reduce_sum3A_48 : vector<512xf32> to vector<512x1xf32>
    %sqrt3A_50 = math.sqrt %broadcast_in_dim3A_49 : vector<512x1xf32>
    %add3A_51 = arith.constant 9.99999997E-7 : f32
    %add3A_52 = vector.broadcast %add3A_51 : f32 to vector<512x1xf32>
    %add3A_53 = arith.addf %sqrt3A_50, %add3A_52 : vector<512x1xf32>
    %div3A_54 = vector.broadcast %add3A_53 : vector<512x1xf32> to vector<512x64xf32>
    %div3A_55 = arith.divf %slice3A_45, %div3A_54 : vector<512x64xf32>
    %slice3A_56 = vector.extract_strided_slice %get3A_29 {offsets = [0, 64], sizes = [512, 64], strides = [1, 1]} : vector<512x128xf32> to vector<512x64xf32>
    %reduce_sum3A_57 = arith.constant dense<0.000000e+00> : vector<512xf32>
    %reduce_sum3A_58 = vector.multi_reduction <add>, %slice3A_56, %reduce_sum3A_57 [1] : vector<512x64xf32> to vector<512xf32>
    %slice3A_59 = vector.extract_strided_slice %get3A_34 {offsets = [0, 64], sizes = [512, 64], strides = [1, 1]} : vector<512x128xf32> to vector<512x64xf32>
    %reduce_sum3A_60 = arith.constant dense<0.000000e+00> : vector<512xf32>
    %reduce_sum3A_61 = vector.multi_reduction <add>, %slice3A_59, %reduce_sum3A_60 [1] : vector<512x64xf32> to vector<512xf32>
    %iota3A = tpu.iota {dimensions = array<i32: 0>} : vector<3x1xi32>
    %eq3A_62 = vector.broadcast %arg0 : i32 to vector<3x1xi32>
    %eq3A_63 = arith.cmpi eq, %iota3A, %eq3A_62 : vector<3x1xi32>
    %convert_element_type3A_64 = arith.extui %eq3A_63 : vector<3x1xi1> to vector<3x1xi32>
    %convert_element_type3A_65 = arith.sitofp %convert_element_type3A_64 : vector<3x1xi32> to vector<3x1xf32>
    %get3A_66 = arith.constant 0 : index
    %get3A_67 = arith.constant 0 : index
    %get3A_68 = vector.load %arg5[%get3A_66, %get3A_67] : memref<3x512xf32, #tpu.memory_space<vmem>>, vector<3x512xf32>
    %mul3A_69 = vector.broadcast %convert_element_type3A_65 : vector<3x1xf32> to vector<3x512xf32>
    %mul3A_70 = arith.mulf %get3A_68, %mul3A_69 : vector<3x512xf32>
    %reduce_sum3A_71 = arith.constant dense<0.000000e+00> : vector<512xf32>
    %reduce_sum3A_72 = vector.multi_reduction <add>, %mul3A_70, %reduce_sum3A_71 [0] : vector<3x512xf32> to vector<512xf32>
    %gt3A = arith.constant 5.000000e-01 : f32
    %gt3A_73 = vector.broadcast %gt3A : f32 to vector<512xf32>
    %gt3A_74 = arith.cmpf ogt, %reduce_sum3A_72, %gt3A_73 : vector<512xf32>
    %convert_element_type3A_75 = arith.extui %gt3A_74 : vector<512xi1> to vector<512xi32>
    %convert_element_type3A_76 = arith.sitofp %convert_element_type3A_75 : vector<512xi32> to vector<512xf32>
    %mul3A_77 = arith.constant 14.2857141 : f32
    %mul3A_78 = vector.broadcast %mul3A_77 : f32 to vector<512x64xf32>
    %mul3A_79 = arith.mulf %div3A_44, %mul3A_78 : vector<512x64xf32>
    %convert_element_type3A_80 = arith.truncf %mul3A_79 : vector<512x64xf32> to vector<512x64xbf16>
    %mul3A_81 = arith.constant 14.2857141 : f32
    %mul3A_82 = vector.broadcast %mul3A_81 : f32 to vector<512x64xf32>
    %mul3A_83 = arith.mulf %div3A_55, %mul3A_82 : vector<512x64xf32>
    %convert_element_type3A_84 = arith.truncf %mul3A_83 : vector<512x64xf32> to vector<512x64xbf16>
    %convert_element_type3A_85 = arith.truncf %div3A_9 : vector<1024x64xf32> to vector<1024x64xbf16>
    %convert_element_type3A_86 = arith.truncf %div3A_24 : vector<1024x64xf32> to vector<1024x64xbf16>
    %dot_general3A = arith.constant dense<0.000000e+00> : vector<512x1024xf32>
    %dot_general3A_87 = tpu.matmul %convert_element_type3A_80, %convert_element_type3A_86, %dot_general3A {dimension_numbers = #tpu.dot_dimension_numbers<[1], [1], [0], [0], [0, 0, 1, 0], [], []>, transpose_lhs_hint = false} : vector<512x64xbf16>, vector<1024x64xbf16>, vector<512x1024xf32> -> vector<512x1024xf32>
    %exp3A = math.exp %dot_general3A_87 : vector<512x1024xf32>
    %reduce_sum3A_88 = arith.constant dense<0.000000e+00> : vector<512xf32>
    %reduce_sum3A_89 = vector.multi_reduction <add>, %exp3A, %reduce_sum3A_88 [1] : vector<512x1024xf32> to vector<512xf32>
    %log3A = math.log %reduce_sum3A_89 : vector<512xf32>
    %dot_general3A_90 = arith.constant dense<0.000000e+00> : vector<512x1024xf32>
    %dot_general3A_91 = tpu.matmul %convert_element_type3A_84, %convert_element_type3A_85, %dot_general3A_90 {dimension_numbers = #tpu.dot_dimension_numbers<[1], [1], [0], [0], [0, 0, 1, 0], [], []>, transpose_lhs_hint = false} : vector<512x64xbf16>, vector<1024x64xbf16>, vector<512x1024xf32> -> vector<512x1024xf32>
    %exp3A_92 = math.exp %dot_general3A_91 : vector<512x1024xf32>
    %reduce_sum3A_93 = arith.constant dense<0.000000e+00> : vector<512xf32>
    %reduce_sum3A_94 = vector.multi_reduction <add>, %exp3A_92, %reduce_sum3A_93 [1] : vector<512x1024xf32> to vector<512xf32>
    %log3A_95 = math.log %reduce_sum3A_94 : vector<512xf32>
    %mul3A_96 = arith.mulf %div3A_44, %div3A_55 : vector<512x64xf32>
    %reduce_sum3A_97 = arith.constant dense<0.000000e+00> : vector<512xf32>
    %reduce_sum3A_98 = vector.multi_reduction <add>, %mul3A_96, %reduce_sum3A_97 [1] : vector<512x64xf32> to vector<512xf32>
    %mul3A_99 = arith.constant 14.2857141 : f32
    %mul3A_100 = vector.broadcast %mul3A_99 : f32 to vector<512xf32>
    %mul3A_101 = arith.mulf %reduce_sum3A_98, %mul3A_100 : vector<512xf32>
    %add3A_102 = arith.addf %log3A, %log3A_95 : vector<512xf32>
    %mul3A_103 = arith.constant 2.000000e+00 : f32
    %mul3A_104 = vector.broadcast %mul3A_103 : f32 to vector<512xf32>
    %mul3A_105 = arith.mulf %mul3A_104, %mul3A_101 : vector<512xf32>
    %sub3A = arith.subf %add3A_102, %mul3A_105 : vector<512xf32>
    %mul3A_106 = arith.constant 5.000000e-01 : f32
    %mul3A_107 = vector.broadcast %mul3A_106 : f32 to vector<512xf32>
    %mul3A_108 = arith.mulf %sub3A, %mul3A_107 : vector<512xf32>
    %get3A_109 = arith.constant 0 : index
    %get3A_110 = memref.load %arg7[%get3A_109] : memref<3xf32, #tpu.memory_space<smem>>
    %mul3A_111 = arith.mulf %mul3A_108, %convert_element_type3A_76 : vector<512xf32>
    %reduce_sum3A_112 = vector.shape_cast %mul3A_111 : vector<512xf32> to vector<1x512xf32>
    %reduce_sum3A_113 = arith.constant dense<0.000000e+00> : vector<1xf32>
    %reduce_sum3A_114 = vector.multi_reduction <add>, %reduce_sum3A_112, %reduce_sum3A_113 [1] : vector<1x512xf32> to vector<1xf32>
    %reduce_sum3A_115 = vector.shape_cast %reduce_sum3A_114 : vector<1xf32> to vector<1x1xf32>
    %reduce_sum3A_116 = vector.extract %reduce_sum3A_115[0, 0] : f32 from vector<1x1xf32>
    %add3A_117 = arith.addf %get3A_110, %reduce_sum3A_116 : f32
    %swap3A = arith.constant 0 : index
    %swap3A_118 = memref.load %arg7[%swap3A] : memref<3xf32, #tpu.memory_space<smem>>
    memref.store %add3A_117, %arg7[%swap3A] : memref<3xf32, #tpu.memory_space<smem>>
    %get3A_119 = arith.constant 1 : index
    %get3A_120 = memref.load %arg7[%get3A_119] : memref<3xf32, #tpu.memory_space<smem>>
    %reduce_sum3A_121 = vector.shape_cast %convert_element_type3A_76 : vector<512xf32> to vector<1x512xf32>
    %reduce_sum3A_122 = arith.constant dense<0.000000e+00> : vector<1xf32>
    %reduce_sum3A_123 = vector.multi_reduction <add>, %reduce_sum3A_121, %reduce_sum3A_122 [1] : vector<1x512xf32> to vector<1xf32>
    %reduce_sum3A_124 = vector.shape_cast %reduce_sum3A_123 : vector<1xf32> to vector<1x1xf32>
    %reduce_sum3A_125 = vector.extract %reduce_sum3A_124[0, 0] : f32 from vector<1x1xf32>
    %add3A_126 = arith.addf %get3A_120, %reduce_sum3A_125 : f32
    %swap3A_127 = arith.constant 1 : index
    %swap3A_128 = memref.load %arg7[%swap3A_127] : memref<3xf32, #tpu.memory_space<smem>>
    memref.store %add3A_126, %arg7[%swap3A_127] : memref<3xf32, #tpu.memory_space<smem>>
    %get3A_129 = arith.constant 2 : index
    %get3A_130 = memref.load %arg7[%get3A_129] : memref<3xf32, #tpu.memory_space<smem>>
    %max3A = arith.constant 0.000000e+00 : f32
    %max3A_131 = vector.broadcast %max3A : f32 to vector<512xf32>
    %max3A_132 = arith.maximumf %reduce_sum3A_58, %max3A_131 : vector<512xf32>
    %mul3A_133 = arith.mulf %reduce_sum3A_58, %convert_element_type3A_76 : vector<512xf32>
    %sub3A_134 = arith.subf %max3A_132, %mul3A_133 : vector<512xf32>
    %abs3A = math.absf %reduce_sum3A_58 : vector<512xf32>
    %neg3A = arith.constant 0.000000e+00 : f32
    %neg3A_135 = vector.broadcast %neg3A : f32 to vector<512xf32>
    %neg3A_136 = arith.subf %neg3A_135, %abs3A : vector<512xf32>
    %exp3A_137 = math.exp %neg3A_136 : vector<512xf32>
    %log1p3A = math.log1p %exp3A_137 : vector<512xf32>
    %add3A_138 = arith.addf %sub3A_134, %log1p3A : vector<512xf32>
    %max3A_139 = arith.constant 0.000000e+00 : f32
    %max3A_140 = vector.broadcast %max3A_139 : f32 to vector<512xf32>
    %max3A_141 = arith.maximumf %reduce_sum3A_61, %max3A_140 : vector<512xf32>
    %mul3A_142 = arith.mulf %reduce_sum3A_61, %convert_element_type3A_76 : vector<512xf32>
    %sub3A_143 = arith.subf %max3A_141, %mul3A_142 : vector<512xf32>
    %abs3A_144 = math.absf %reduce_sum3A_61 : vector<512xf32>
    %neg3A_145 = arith.constant 0.000000e+00 : f32
    %neg3A_146 = vector.broadcast %neg3A_145 : f32 to vector<512xf32>
    %neg3A_147 = arith.subf %neg3A_146, %abs3A_144 : vector<512xf32>
    %exp3A_148 = math.exp %neg3A_147 : vector<512xf32>
    %log1p3A_149 = math.log1p %exp3A_148 : vector<512xf32>
    %add3A_150 = arith.addf %sub3A_143, %log1p3A_149 : vector<512xf32>
    %add3A_151 = arith.addf %add3A_138, %add3A_150 : vector<512xf32>
    %mul3A_152 = arith.constant 5.000000e-01 : f32
    %mul3A_153 = vector.broadcast %mul3A_152 : f32 to vector<512xf32>
    %mul3A_154 = arith.mulf %add3A_151, %mul3A_153 : vector<512xf32>
    %reduce_sum3A_155 = vector.shape_cast %mul3A_154 : vector<512xf32> to vector<1x512xf32>
    %reduce_sum3A_156 = arith.constant dense<0.000000e+00> : vector<1xf32>
    %reduce_sum3A_157 = vector.multi_reduction <add>, %reduce_sum3A_155, %reduce_sum3A_156 [1] : vector<1x512xf32> to vector<1xf32>
    %reduce_sum3A_158 = vector.shape_cast %reduce_sum3A_157 : vector<1xf32> to vector<1x1xf32>
    %reduce_sum3A_159 = vector.extract %reduce_sum3A_158[0, 0] : f32 from vector<1x1xf32>
    %add3A_160 = arith.addf %get3A_130, %reduce_sum3A_159 : f32
    %swap3A_161 = arith.constant 2 : index
    %swap3A_162 = memref.load %arg7[%swap3A_161] : memref<3xf32, #tpu.memory_space<smem>>
    memref.store %add3A_160, %arg7[%swap3A_161] : memref<3xf32, #tpu.memory_space<smem>>
    %eq3A_163 = arith.constant 2 : i32
    %eq3A_164 = arith.cmpi eq, %arg0, %eq3A_163 : i32
    %convert_element_type3A_165 = arith.extui %eq3A_164 : i1 to i32
    %cond3A_166 = arith.constant 0 : i32
    %cond3A_167 = arith.cmpi ne, %convert_element_type3A_165, %cond3A_166 : i32
    scf.if %cond3A_167 {
      %get3A_168 = arith.constant 0 : index
      %get3A_169 = memref.load %arg7[%get3A_168] : memref<3xf32, #tpu.memory_space<smem>>
      %get3A_170 = arith.constant 1 : index
      %get3A_171 = memref.load %arg7[%get3A_170] : memref<3xf32, #tpu.memory_space<smem>>
      %max3A_172 = arith.constant 1.000000e+00 : f32
      %max3A_173 = arith.maximumf %get3A_171, %max3A_172 : f32
      %div3A_174 = arith.divf %get3A_169, %max3A_173 : f32
      %mul3A_175 = arith.constant 2.000000e-01 : f32
      %mul3A_176 = arith.mulf %mul3A_175, %div3A_174 : f32
      %get3A_177 = arith.constant 2 : index
      %get3A_178 = memref.load %arg7[%get3A_177] : memref<3xf32, #tpu.memory_space<smem>>
      %div3A_179 = arith.constant 1.536000e+03 : f32
      %div3A_180 = arith.divf %get3A_178, %div3A_179 : f32
      %mul3A_181 = arith.constant 2.000000e-02 : f32
      %mul3A_182 = arith.mulf %mul3A_181, %div3A_180 : f32
      %add3A_183 = arith.addf %mul3A_176, %mul3A_182 : f32
      %swap3A_184 = arith.constant 0 : index
      %swap3A_185 = arith.constant 0 : index
      %swap3A_186 = memref.load %arg6[%swap3A_184, %swap3A_185] : memref<1x1xf32, #tpu.memory_space<smem>>
      memref.store %add3A_183, %arg6[%swap3A_184, %swap3A_185] : memref<1x1xf32, #tpu.memory_space<smem>>
    } else {
    }
    return
  }
  func.func @transform_0(%arg0: i32) -> (i32, i32, i32) {
    %c0_i32 = arith.constant 0 : i32
    %c0_i32_0 = arith.constant 0 : i32
    %c0_i32_1 = arith.constant 0 : i32
    return %arg0, %c0_i32, %c0_i32_0 : i32, i32, i32
  }
  func.func @transform_1(%arg0: i32) -> (i32, i32, i32) {
    %c0_i32 = arith.constant 0 : i32
    %c0_i32_0 = arith.constant 0 : i32
    %c0_i32_1 = arith.constant 0 : i32
    return %arg0, %c0_i32, %c0_i32_0 : i32, i32, i32
  }
  func.func @transform_2(%arg0: i32) -> (i32, i32, i32) {
    %c0_i32 = arith.constant 0 : i32
    %c0_i32_0 = arith.constant 0 : i32
    %c0_i32_1 = arith.constant 0 : i32
    return %arg0, %c0_i32, %c0_i32_0 : i32, i32, i32
  }
  func.func @transform_3(%arg0: i32) -> (i32, i32, i32) {
    %c0_i32 = arith.constant 0 : i32
    %c0_i32_0 = arith.constant 0 : i32
    %c0_i32_1 = arith.constant 0 : i32
    return %arg0, %c0_i32, %c0_i32_0 : i32, i32, i32
  }
  func.func @transform_4(%arg0: i32) -> (i32, i32) {
    %c0_i32 = arith.constant 0 : i32
    %c0_i32_0 = arith.constant 0 : i32
    %c0_i32_1 = arith.constant 0 : i32
    return %c0_i32, %c0_i32_0 : i32, i32
  }
  func.func @transform_5(%arg0: i32) -> (i32, i32) {
    %c0_i32 = arith.constant 0 : i32
    %c0_i32_0 = arith.constant 0 : i32
    %c0_i32_1 = arith.constant 0 : i32
    return %c0_i32, %c0_i32_0 : i32, i32
  }
}

</mosaic_0001>

<sc_bundles>
// kernel: kernel.4.cloned.1.call-start
scs
__scs_entry_jumppad:
0x0: {  	(pc) =	sbr.rel $0x88, $3  }
0x1: {  	(tag) =	ssettag $0x0;
	lr =	simm.s32 $0x1  }
0x2: {  	[smem:$0x3F9A] =	sst lr;
	_ =	strace $0xD0000000  }
0x3: {  	_ = 	snop  }
0x4: {  	_ = 	snop  }
0x5: {  	_ = 	snop  }
0x6: {  	_ = 	snop  }
0x7: {  	_ = 	snop  }
__scs_overlays_trampoline_lowered:
0x8: {  	[smem:$0x3FA9] =	sst s0  }
0x9: {  	[smem:$0x3FAA] =	sst s1  }
0xa: {  	[smem:$0x3FAB] =	sst s2  }
0xb: {  	[smem:$0x3FAC] =	sst s3  }
0xc: {  	[smem:$0x3FAD] =	sst s4  }
0xd: {  	[smem:$0x3FAE] =	sst s5  }
0xe: {  	[smem:$0x3FAF] =	sst s6  }
0xf: {  	[smem:$0x3FB0] =	sst s7  }
0x10: {  	[smem:$0x3FB1] =	sst s8  }
0x11: {  	[smem:$0x3FB2] =	sst s9;
	s0 =	simm.s32 @!p0 $0x0  }
0x12: {  	s1 =	sld [smem:$0x3F98];
	s0 =	simm.s32 @p0 $0x1  }
0x13: {  	[smem:$0x3FB3] =	sst s0;
	s0 =	simm.s32 @!p1 $0x0  }
0x14: {  	s2 =	sld [smem:$0x3F97];
	s0 =	simm.s32 @p1 $0x1  }
0x15: {  	[smem:$0x3FB4] =	sst s0;
	s0 =	simm.s32 @!p2 $0x0  }
0x16: {  	s3 =	sld [smem:$0x3FDB];
	s0 =	simm.s32 @p2 $0x1  }
0x17: {  	s4 =	simm.s32 $0x1BF5;
	[smem:$0x3FB6] =	sst s0  }
0x18: {  	s0 =	sld [smem:$0x3F99];
	_ =	swait.ge [sflag:s4], $0x0  }
0x19: {  	s7 =	sld [smem:$0x3F9A]  }
0x1a: {  	s8 =	sadd.s32 $0xFFFFE003, lr  }
0x1b: {  	s9 =	sadd.s32 $0xFFFFFEF7, lr;
	s5 =	simm.s32 $0xFFFFFFFF;
	p2 =	slt.u32 s8, $0xFFFFF086  }
0x1c: {  	p1 =	slt.u32 s9, $0xF7A;
	s5 =	simm.s32 @!p2 $0x0  }
0x1d: {  	s5 =	simm.s32 @p1 $0x1;
	p0 =	seq.s32 s7, s2  }
0x1e: {  	s7 =	smul.u32 @!p0 $0xF7A, s2;
	p2 =	seq.s32 @!p0 s5, $0x0  }
0x1f: {  	s9 =	smul.u32 $0xF7A, s1;
	s8 =	simm.s32 @!p0 $0x1BF5;
	p2 =	por !p2, p0  }
0x20: {  	[sflag:s8] =	ssyncset.s32 @!p0 $0xFFFFF086;
	s6 =	sadd.s32 @!p0 s3, s7;
	s7 =	simm.s32 @!p0 $0x108  }
0x21: {  	s3 =	sadd.s32 s3, s9;
	s6 =	sadd.s32 @!p0 $0x88, s6;
	s7 =	simm.s32 @p2 $0x1082  }
0x22: {  	[simem:s7], [sflag:s8] =	dma.local @!p0 [hbm:s6], $0xF7A  }
0x23: {  	s9 =	sor.u32 $0xD0000000, s2;
	s6 =	simm.s32 $0x108;
	_ =	swait.ge @!p0 [sflag:s8], $0x0  }
0x24: {  	s3 =	sadd.s32 $0x88, s3;
	s6 =	simm.s32 @!p1 $0x1082;
	[sflag:s4] =	ssyncset.s32 $0xFFFFF086  }
0x25: {  	[simem:s6], [sflag:s4] =	dma.local [hbm:s3], $0xF7A  }
0x26: {  	[smem:$0x3F9A] =	sst s1;
	(tag) =	ssettag s2;
	_ =	strace s9  }
0x27: {  	s1 =	sld [smem:$0x3FAA]  }
0x28: {  	s2 =	sld [smem:$0x3FAB]  }
0x29: {  	s4 =	sld [smem:$0x3FAD]  }
0x2a: {  	p0 =	seq.s32 s5, $0x0;
	s5 =	sld [smem:$0x3FAE]  }
0x2b: {  	s6 =	sld [smem:$0x3FAF]  }
0x2c: {  	s7 =	sld [smem:$0x3FB0]  }
0x2d: {  	s3 =	simm.s32 $0x108;
	s8 =	sld [smem:$0x3FB1]  }
0x2e: {  	s3 =	simm.s32 @!p0 $0x1082;
	s9 =	sld [smem:$0x3FB2]  }
0x2f: {  	lr =	sadd.s32 s0, s3;
	s0 =	sld [smem:$0x3FA9]  }
0x30: {  	s3 =	sld [smem:$0x3FAC]  }
0x31: {  	[smem:$0x3FB5] =	sst s10  }
0x32: {  	s10 =	sld [smem:$0x3FB3];
	_ =	sdelay $0x3  }
0x33: {  	p0 =	seq.s32 s10, $0x1;
	s10 =	sld [smem:$0x3FB5];
	_ =	sdelay $0x3  }
0x34: {  	[smem:$0x3FB5] =	sst s10  }
0x35: {  	s10 =	sld [smem:$0x3FB4];
	_ =	sdelay $0x3  }
0x36: {  	p1 =	seq.s32 s10, $0x1;
	s10 =	sld [smem:$0x3FB5];
	_ =	sdelay $0x3  }
0x37: {  	[smem:$0x3FB5] =	sst s10  }
0x38: {  	s10 =	sld [smem:$0x3FB6]  }
0x39: {  	_ = 	snop;
	(pc) =	sbr.ind lr, $3  }
0x3a: {  	_ = 	snop  }
0x3b: {  	_ = 	snop  }
0x3c: {  	p2 =	seq.s32 s10, $0x1;
	s10 =	sld [smem:$0x3FB5]  }
0x3d: {  	_ =	shalt  }
0x3e: {  	_ =	shalt  }
0x3f: {  	_ =	shalt  }
0x40: {  	_ =	shalt  }
0x41: {  	_ =	shalt  }
0x42: {  	_ =	shalt  }
0x43: {  	_ =	shalt  }
0x44: {  	_ =	shalt  }
0x45: {  	_ =	shalt  }
0x46: {  	_ =	shalt  }
0x47: {  	_ =	shalt  }
0x48: {  	_ =	shalt  }
0x49: {  	_ =	shalt  }
0x4a: {  	_ =	shalt  }
0x4b: {  	_ =	shalt  }
0x4c: {  	_ =	shalt  }
0x4d: {  	_ =	shalt  }
0x4e: {  	_ =	shalt  }
0x4f: {  	_ =	shalt  }
0x50: {  	_ =	shalt  }
0x51: {  	_ =	shalt  }
0x52: {  	_ =	shalt  }
0x53: {  	_ =	shalt  }
0x54: {  	_ =	shalt  }
0x55: {  	_ =	shalt  }
0x56: {  	_ =	shalt  }
0x57: {  	_ =	shalt  }
0x58: {  	_ =	shalt  }
0x59: {  	_ =	shalt  }
0x5a: {  	_ =	shalt  }
0x5b: {  	_ =	shalt  }
0x5c: {  	_ =	shalt  }
0x5d: {  	_ =	shalt  }
0x5e: {  	_ =	shalt  }
0x5f: {  	_ =	shalt  }
0x60: {  	_ =	shalt  }
0x61: {  	_ =	shalt  }
0x62: {  	_ =	shalt  }
0x63: {  	_ =	shalt  }
0x64: {  	_ =	shalt  }
0x65: {  	_ =	shalt  }
0x66: {  	_ =	shalt  }
0x67: {  	_ =	shalt  }
0x68: {  	_ =	shalt  }
0x69: {  	_ =	shalt  }
0x6a: {  	_ =	shalt  }
0x6b: {  	_ =	shalt  }
0x6c: {  	_ =	shalt  }
0x6d: {  	_ =	shalt  }
0x6e: {  	_ =	shalt  }
0x6f: {  	_ =	shalt  }
0x70: {  	_ =	shalt  }
0x71: {  	_ =	shalt  }
0x72: {  	_ =	shalt  }
0x73: {  	_ =	shalt  }
0x74: {  	_ =	shalt  }
0x75: {  	_ =	shalt  }
0x76: {  	_ =	shalt  }
0x77: {  	_ =	shalt  }
0x78: {  	_ =	shalt  }
0x79: {  	_ =	shalt  }
0x7a: {  	_ =	shalt  }
0x7b: {  	_ =	shalt  }
0x7c: {  	_ =	shalt  }
0x7d: {  	_ =	shalt  }
0x7e: {  	_ =	shalt  }
0x7f: {  	_ =	shalt  }
0x80: {  	_ =	shalt  }
0x81: {  	_ =	shalt  }
0x82: {  	_ =	shalt  }
0x83: {  	_ =	shalt  }
0x84: {  	_ =	shalt  }
0x85: {  	_ =	shalt  }
0x86: {  	_ =	shalt  }
0x87: {  	_ =	shalt  }
.Lfunc_end0:
.L_simem_size_0:
called_computation_lowered:
.L_overlay_start_0:
0x88: {  	s2 =	sld [smem:$0x3FD9]  }
0x89: {  	s3 =	sld [smem:$0x3FFE];
	_ =	sdelay $0x1  }
0x8a: {  	s1 =	srdreg.scid  }
0x8b: {  	s0 =	sand.u32 $0x1, s1  }
0x8c: {  	s17 =	sshll.u32 s0, $0xA;
	s2 =	sadd.s32 s3, s2  }
0x8d: {  	s2 =	sadd.s32 s2, s17  }
0x8e: {  	[smem:$0x3FC1] =	sst s2  }
0x8f: {  	_ = 	snop  }
0x90: {  	s2 =	sld [smem:$0x3FC5]  }
0x91: {  	s18 =	sld [smem:$0x3FC4];
	(tm) =	ssettm $0x1  }
0x92: {  	s4 =	sld [smem:$0x3FFB];
	_ =	sdelay $0x3  }
0x93: {  	_ =	strace s4  }
0x94: {  	s4 =	sld [smem:$0x3FFC];
	_ =	sdelay $0x3  }
0x95: {  	_ =	strace s4  }
0x96: {  	s4 =	sld [smem:$0x3FFD];
	_ =	sdelay $0x3  }
0x97: {  	_ =	strace s4  }
0x98: {  	_ =	strace $0x8FFFFFFF  }
0x99: {  	s19 =	sld [smem:$0x3FDB];
	_ =	sdelay $0x1  }
0x9a: {  	s5 =	simm.s32 $_scs_section_size  }
0x9b: {  	s6 =	simm.s32 $_size__tile_overlayer_lowered;
	s7 =	simm.s32 $_tile_overlayer_lowered  }
0x9c: {  	s22 =	simm.s32 $0x1BFF;
	s21 =	sshll.u32 s7, $0x1;
	s4 =	sadd.s32 s5, s19  }
0x9d: {  	s8 =	simm.s32 $0x0;
	s20 =	sshll.u32 s6, $0x1;
	s6 =	sadd.s32 s21, s4  }
0x9e: {  	[timem:s8], [sflag:s22] =	dma.local [hbm:s6], s20  }
0x9f: {  	_ =	swait.ge [sflag:s22], s20  }
0xa0: {  	s5 =	ssub.s32 $0x0, s20;
	[sflag:s22] =	ssyncset.done $0x0  }
0xa1: {  	[sflag:s22] =	ssyncadd.s32 s5;
	_ =	sdelay $0x1  }
0xa2: {  	s23 =	simm.s32 $0x1B8B  }
0xa3: {  	_ =	swait.ge [sflag:s23], $0x1  }
0xa4: {  	[sflag:s23] =	ssyncset.done $0x0  }
0xa5: {  	s25 =	simm.s32 $0x1B8E;
	s24 =	sld [smem:$0x3FFE];
	[sflag:s23] =	ssyncadd.s32 $0xFFFFFFFF  }
0xa6: {  	s26 =	simm.s32 $execute0_lowered;
	[smem:$0x3FD2] =	sst s25  }
0xa7: {  	s6 =	sshll.u32 s26, $0x1;
	_ =	strace $0x80000046;
	[dreg:$0x1] =	wrdreg $0xFFFFFFFF  }
0xa8: {  	s28 =	simm.s32 $_size_execute0_lowered;
	s4 =	sadd.s32 s4, s6;
	[dreg:$0x0] =	wrdreg $0x0  }
0xa9: {  	s6 =	sshll.u32 s28, $0x1;
	[dreg:$0x2] =	wrdreg s4  }
0xaa: {  	[dreg:$0x3] =	wrdreg s6  }
0xab: {  	[dreg:$0x4] =	wrdreg $0xC0  }
0xac: {  	_ =	task [dreg:s8], $0x5FFFF  }
0xad: {  	[dreg:$0x1] =	wrdreg $0xFFFFFFFF  }
0xae: {  	[dreg:$0x0] =	wrdreg $0x60  }
0xaf: {  	[dreg:$0x2] =	wrdreg s24  }
0xb0: {  	[dreg:$0x3] =	wrdreg s2  }
0xb1: {  	[dreg:$0x4] =	wrdreg s18  }
0xb2: {  	[dreg:$0x5] =	wrdreg $0x9  }
0xb3: {  	_ =	task.clear_ibuf [dreg:s8], $0x6FFFF;
	_ =	strace $0x90000046  }
0xb4: {  	s29 =	simm.s32 $0x9;
	_ =	strace $0x80000048  }
0xb5: {  	_ =	swait.ge [sflag:s29], $0x1  }
0xb6: {  	[sflag:s29] =	ssyncadd.s32 $0xFFFFFFFF  }
0xb7: {  	_ =	strace $0x90000048  }
0xb8: {  	_ =	sfence  }
0xb9: {  	s30 =	sld [smem:$0x0];
	_ =	sdelay $0x2  }
0xba: {  	s31 =	sshll.u32 s1, $0xD;
	s1 =	sshrl.u32 s1, $0x2  }
0xbb: {  	s3 =	sand.u32 $0x4000, s31;
	s1 =	sadd.s32 s1, s30  }
0xbc: {  	s0 =	sor.u32 s3, s0;
	s1 =	sshll.u32 s1, $0x11  }
0xbd: {  	s0 =	sor.u32 s1, s0  }
0xbe: {  	s0 =	sadd.s32 $0x8F2B, s0  }
0xbf: {  	[sflag:s0] =	ssyncadd.remote.s32 $0x1  }
0xc0: {  	_ =	sfence.sel $0xFFFF  }
0xc1: {  	[dreg:$0x0] =	wrdreg $0xFFFFFFFF;
	(pc) =	sbr.abs _section_cstart, $3  }
0xc2: {  	[dreg:$0x1] =	wrdreg $0xFFFFFFFF  }
0xc3: {  	_ =	task.clear_ibuf [dreg:s8], $0x2FFFF;
	_ =	strace $0x9FFFFFFF  }
0xc4: {  	(tm) =	ssettm $0x7FFFFFFF  }
0xc5: {  	_ =	shalt  }
tec
execute0_lowered:
.L_overlay_start_1:
0x0: {  	(tag) =	ssettag $0x1  }
0x1: {  	s1 =	srdreg.scid  }
0x2: {  	s0 =	stileid.u32;
	s1 =	sand.u32 $0x1, s1  }
0x3: {  	s2 =	sshll.u32 s0, $0x5;
	s3 =	sshll.u32 s1, $0x4  }
0x4: {  	s26 =	sshll.u32 s0, $0x7;
	s20 =	sor.u32 s3, s2  }
0x5: {  	s25 =	rddreg [dreg:$0x0];
	s3 =	sor.u32 s26, s20  }
0x6: {  	s10 =	rddreg [dreg:$0x1];
	s2 =	simm.s32 $0x0;
	s3 =	sand.u32 $0x670, s3  }
0x7: {  	[smem:$0x7FF] =	sst s2;
	s9 =	sshrl.u32 s3, $0x3  }
0x8: {  	s12 =	rddreg [dreg:$0x2];
	_ =	strace $0x80000047;
	s3 =	sadd.s32 s10, s9  }
0x9: {  	[tilespmem:s2], [sflag:$0x1] =	stream.linear.gather [hbm4b:s3+s2], $0x10, $0x38;
	[tilespmem:$0x3100] =	vst v63  }
0xa: {  	s5 =	simm.s32 $0x80;
	s4 =	sadd.s32 s12, s9;
	s8 =	sor.u32 $0x10, s9  }
0xb: {  	[tilespmem:s5], [sflag:$0x1] =	stream.linear.gather [hbm4b:s4+s2], $0x10, $0x38;
	[tilespmem:$0x3100] =	vst v63  }
0xc: {  	s7 =	simm.s32 $0x10;
	s11 =	sadd.s32 $0x1400, s25;
	s6 =	sadd.s32 s10, s8  }
0xd: {  	[tilespmem:s7], [sflag:$0x1] =	stream.linear.gather [hbm4b:s6+s2], $0x10, $0x38;
	[tilespmem:$0x3100] =	vst v63  }
0xe: {  	s13 =	sor.u32 $0x20, s9;
	s9 =	simm.s32 $0x90;
	s8 =	sadd.s32 s12, s8  }
0xf: {  	[tilespmem:s9], [sflag:$0x1] =	stream.linear.gather [hbm4b:s8+s2], $0x10, $0x38;
	[tilespmem:$0x3100] =	vst v63  }
0x10: {  	[dreg:$0x4] =	wrdreg s11;
	s11 =	simm.s32 $0x20;
	s10 =	sadd.s32 s10, s13  }
0x11: {  	[tilespmem:s11], [sflag:$0x1] =	stream.linear.gather [hbm4b:s10+s2], $0x10, $0x38;
	[tilespmem:$0x3100] =	vst v63  }
0x12: {  	s14 =	simm.s32 $0x1;
	s12 =	sadd.s32 s12, s13;
	s13 =	simm.s32 $0xA0  }
0x13: {  	[tilespmem:s13], [sflag:$0x1] =	stream.linear.gather [hbm4b:s12+s2], $0x10, $0x38;
	[tilespmem:$0x3100] =	vst v63  }
0x14: {  	_ =	swait.ge [sflag:s14], $0x10  }
0x15: {  	[sflag:s14] =	ssyncset.done $0x0  }
0x16: {  	[sflag:s14] =	ssyncadd.s32 $0xFFFFFFF0  }
0x17: {  	_ =	swait.ge [sflag:s14], $0x10  }
0x18: {  	[sflag:s14] =	ssyncset.done $0x0  }
0x19: {  	[sflag:s14] =	ssyncadd.s32 $0xFFFFFFF0  }
0x1a: {  	_ =	swait.ge [sflag:s14], $0x10  }
0x1b: {  	[sflag:s14] =	ssyncset.done $0x0  }
0x1c: {  	[sflag:s14] =	ssyncadd.s32 $0xFFFFFFF0  }
0x1d: {  	_ =	swait.ge [sflag:s14], $0x10  }
0x1e: {  	[sflag:s14] =	ssyncset.done $0x0  }
0x1f: {  	[sflag:s14] =	ssyncadd.s32 $0xFFFFFFF0  }
0x20: {  	_ =	swait.ge [sflag:s14], $0x10  }
0x21: {  	[sflag:s14] =	ssyncset.done $0x0  }
0x22: {  	[sflag:s14] =	ssyncadd.s32 $0xFFFFFFF0  }
0x23: {  	_ =	swait.ge [sflag:s14], $0x10  }
0x24: {  	[sflag:s14] =	ssyncset.done $0x0  }
0x25: {  	[sflag:s14] =	ssyncadd.s32 $0xFFFFFFF0  }
0x26: {  	v0 =	vld [tilespmem:$0xA0]  }
0x27: {  	v1 =	vld [tilespmem:$0x20]  }
0x28: {  	v2 =	vld [tilespmem:$0x10]  }
0x29: {  	v3 =	vld [tilespmem:$0x90];
	_ =	sdelay $0x1  }
0x2a: {  	v0 =	vadd.s32 $0x800, v0  }
0x2b: {  	v1 =	vadd.s32 $0x800, v1;
	[tilespmem:$0xA0] =	vst v0  }
0x2c: {  	v62 =	vadd.s32 $0x400, v2;
	[tilespmem:$0x20] =	vst v1  }
0x2d: {  	v63 =	vadd.s32 $0x400, v3;
	[tilespmem:$0x10] =	vst v62  }
0x2e: {  	s15 =	simm.s32 $0x30;
	s16 =	simm.s32 $0x100;
	s17 =	rddreg [dreg:$0x4];
	[tilespmem:$0x90] =	vst v63  }
0x2f: {  	[tilespmem:s16], [sflag:$0x2] =	stream.indirect.gather [hbm4b:s17+s15], $0x80, s2, s15, $0xb8;
	[tilespmem:$0x3100] =	vst v63  }
0x30: {  	s18 =	simm.s32 $0x1900;
	s19 =	simm.s32 $0x2;
	s17 =	sadd.s32 $0xD400, s25  }
0x31: {  	[tilespmem:s18], [sflag:$0x2] =	stream.indirect.gather [hbm4b:s17+s15], $0x80, s5, s15, $0xb8;
	[tilespmem:$0x3100] =	vst v63  }
0x32: {  	_ =	swait.ge [sflag:s19], $0x1800  }
0x33: {  	s23 =	sadd.s32 $0x19400, s25;
	s26 =	sshll.u32 s20, $0x4;
	[sflag:s19] =	ssyncset.done $0x0  }
0x34: {  	s20 =	sadd.s32 s23, s26;
	s28 =	sor.u32 $0x2000, s26;
	[sflag:s19] =	ssyncadd.s32 $0xFFFFE800  }
0x35: {  	[hbm4b:s20+s2] =	stream.linear.scatter [tilespmem:s16], [sflag:$0x3], $0x800, $0x38;
	[tilespmem:$0x3100] =	vst v63  }
0x36: {  	s22 =	simm.s32 $0x900;
	s29 =	sor.u32 $0x4000, s26;
	s21 =	sadd.s32 s23, s28  }
0x37: {  	[hbm4b:s21+s2] =	stream.linear.scatter [tilespmem:s22], [sflag:$0x3], $0x800, $0x38;
	[tilespmem:$0x3100] =	vst v63  }
0x38: {  	s24 =	simm.s32 $0x1100;
	s23 =	sadd.s32 s23, s29  }
0x39: {  	[hbm4b:s23+s2] =	stream.linear.scatter [tilespmem:s24], [sflag:$0x3], $0x800, $0x38;
	[tilespmem:$0x3100] =	vst v63  }
0x3a: {  	_ =	swait.ge [sflag:s19], $0x1800  }
0x3b: {  	s30 =	sadd.s32 $0x1F400, s25;
	[sflag:s19] =	ssyncset.done $0x0  }
0x3c: {  	s25 =	sadd.s32 s30, s26;
	[sflag:s19] =	ssyncadd.s32 $0xFFFFE800  }
0x3d: {  	[hbm4b:s25+s2] =	stream.linear.scatter [tilespmem:s18], [sflag:$0x3], $0x800, $0x38;
	[tilespmem:$0x3100] =	vst v63  }
0x3e: {  	s26 =	sadd.s32 s30, s28;
	s28 =	simm.s32 $0x2100  }
0x3f: {  	[hbm4b:s26+s2] =	stream.linear.scatter [tilespmem:s28], [sflag:$0x3], $0x800, $0x38;
	[tilespmem:$0x3100] =	vst v63  }
0x40: {  	s31 =	simm.s32 $0x2900;
	s30 =	sadd.s32 s30, s29;
	s29 =	simm.s32 $0x3  }
0x41: {  	[hbm4b:s30+s2] =	stream.linear.scatter [tilespmem:s31], [sflag:$0x3], $0x800, $0x38;
	[tilespmem:$0x3100] =	vst v63  }
0x42: {  	_ =	swait.ge [sflag:s29], $0x800  }
0x43: {  	[sflag:s29] =	ssyncset.done $0x0  }
0x44: {  	[sflag:s29] =	ssyncadd.s32 $0xFFFFF800  }
0x45: {  	_ =	swait.ge [sflag:s29], $0x800  }
0x46: {  	s1 =	ssub.s32 $0x2, s1;
	[sflag:s29] =	ssyncset.done $0x0  }
0x47: {  	s0 =	sshrl.u32 s1, $0x1;
	[sflag:s29] =	ssyncadd.s32 $0xFFFFF800  }
0x48: {  	s0 =	ssub.s32 s1, s0;
	_ =	swait.ge [sflag:s29], $0x800  }
0x49: {  	s0 =	smax.u32 s0, $0x1;
	[sflag:s29] =	ssyncset.done $0x0  }
0x4a: {  	p0 =	sne.s32 s0, $0x1;
	[sflag:s29] =	ssyncadd.s32 $0xFFFFF800  }
.Ltmp0:
0x4b: {  	_ =	swait.ge [sflag:s29], $0x800;
	(pc) =	sbr.rel @!p0 .LBB2_2-.Ltmp0, $4  }
0x4c: {  	[sflag:s29] =	ssyncset.done $0x0  }
0x4d: {  	[sflag:s29] =	ssyncadd.s32 $0xFFFFF800  }
0x4e: {  	_ =	swait.ge [sflag:s29], $0x800  }
0x4f: {  	s1 =	sadd.s32 $0xFFFFFFFF, s0;
	[sflag:s29] =	ssyncset.done $0x0  }
.LBB2_1:
0x50: {  	[sflag:s29] =	ssyncadd.s32 $0xFFFFF800  }
0x51: {  	_ =	swait.ge [sflag:s29], $0x800  }
0x52: {  	[sflag:s29] =	ssyncset.done $0x0  }
0x53: {  	[sflag:s29] =	ssyncadd.s32 $0xFFFFF800  }
0x54: {  	[tilespmem:s2], [sflag:$0x1] =	stream.linear.gather [hbm4b:s3+s2], $0x10, $0x38;
	[tilespmem:$0x3100] =	vst v63  }
0x55: {  	_ = 	snop  }
0x56: {  	[tilespmem:s5], [sflag:$0x1] =	stream.linear.gather [hbm4b:s4+s2], $0x10, $0x38;
	[tilespmem:$0x3100] =	vst v63  }
0x57: {  	_ = 	snop  }
0x58: {  	[tilespmem:s7], [sflag:$0x1] =	stream.linear.gather [hbm4b:s6+s2], $0x10, $0x38;
	[tilespmem:$0x3100] =	vst v63  }
0x59: {  	_ = 	snop  }
0x5a: {  	[tilespmem:s9], [sflag:$0x1] =	stream.linear.gather [hbm4b:s8+s2], $0x10, $0x38;
	[tilespmem:$0x3100] =	vst v63  }
0x5b: {  	_ = 	snop  }
0x5c: {  	[tilespmem:s11], [sflag:$0x1] =	stream.linear.gather [hbm4b:s10+s2], $0x10, $0x38;
	[tilespmem:$0x3100] =	vst v63  }
0x5d: {  	_ = 	snop  }
0x5e: {  	[tilespmem:s13], [sflag:$0x1] =	stream.linear.gather [hbm4b:s12+s2], $0x10, $0x38;
	[tilespmem:$0x3100] =	vst v63  }
0x5f: {  	_ =	swait.ge [sflag:s14], $0x10  }
0x60: {  	[sflag:s14] =	ssyncset.done $0x0  }
0x61: {  	[sflag:s14] =	ssyncadd.s32 $0xFFFFFFF0  }
0x62: {  	_ =	swait.ge [sflag:s14], $0x10  }
0x63: {  	[sflag:s14] =	ssyncset.done $0x0  }
0x64: {  	[sflag:s14] =	ssyncadd.s32 $0xFFFFFFF0  }
0x65: {  	_ =	swait.ge [sflag:s14], $0x10  }
0x66: {  	[sflag:s14] =	ssyncset.done $0x0  }
0x67: {  	[sflag:s14] =	ssyncadd.s32 $0xFFFFFFF0  }
0x68: {  	_ =	swait.ge [sflag:s14], $0x10  }
0x69: {  	[sflag:s14] =	ssyncset.done $0x0  }
0x6a: {  	[sflag:s14] =	ssyncadd.s32 $0xFFFFFFF0  }
0x6b: {  	_ =	swait.ge [sflag:s14], $0x10  }
0x6c: {  	[sflag:s14] =	ssyncset.done $0x0  }
0x6d: {  	[sflag:s14] =	ssyncadd.s32 $0xFFFFFFF0  }
0x6e: {  	_ =	swait.ge [sflag:s14], $0x10  }
0x6f: {  	[sflag:s14] =	ssyncset.done $0x0  }
0x70: {  	[sflag:s14] =	ssyncadd.s32 $0xFFFFFFF0  }
0x71: {  	v0 =	vld [tilespmem:$0xA0]  }
0x72: {  	v1 =	vld [tilespmem:$0x20]  }
0x73: {  	v2 =	vld [tilespmem:$0x10]  }
0x74: {  	v3 =	vld [tilespmem:$0x90];
	_ =	sdelay $0x1  }
0x75: {  	v0 =	vadd.s32 $0x800, v0  }
0x76: {  	v1 =	vadd.s32 $0x800, v1;
	[tilespmem:$0xA0] =	vst v0  }
0x77: {  	v62 =	vadd.s32 $0x400, v2;
	[tilespmem:$0x20] =	vst v1  }
0x78: {  	v63 =	vadd.s32 $0x400, v3;
	[tilespmem:$0x10] =	vst v62  }
0x79: {  	s0 =	rddreg [dreg:$0x4];
	[tilespmem:$0x90] =	vst v63  }
0x7a: {  	[tilespmem:s16], [sflag:$0x2] =	stream.indirect.gather [hbm4b:s0+s15], $0x80, s2, s15, $0xb8;
	[tilespmem:$0x3100] =	vst v63  }
0x7b: {  	_ = 	snop  }
0x7c: {  	[tilespmem:s18], [sflag:$0x2] =	stream.indirect.gather [hbm4b:s17+s15], $0x80, s5, s15, $0xb8;
	[tilespmem:$0x3100] =	vst v63  }
0x7d: {  	_ =	swait.ge [sflag:s19], $0x1800  }
0x7e: {  	[sflag:s19] =	ssyncset.done $0x0  }
0x7f: {  	[sflag:s19] =	ssyncadd.s32 $0xFFFFE800  }
0x80: {  	[hbm4b:s20+s2] =	stream.linear.scatter [tilespmem:s16], [sflag:$0x3], $0x800, $0x38;
	[tilespmem:$0x3100] =	vst v63  }
0x81: {  	_ = 	snop  }
0x82: {  	[hbm4b:s21+s2] =	stream.linear.scatter [tilespmem:s22], [sflag:$0x3], $0x800, $0x38;
	[tilespmem:$0x3100] =	vst v63  }
0x83: {  	_ = 	snop  }
0x84: {  	[hbm4b:s23+s2] =	stream.linear.scatter [tilespmem:s24], [sflag:$0x3], $0x800, $0x38;
	[tilespmem:$0x3100] =	vst v63  }
0x85: {  	_ =	swait.ge [sflag:s19], $0x1800  }
0x86: {  	[sflag:s19] =	ssyncset.done $0x0  }
0x87: {  	[sflag:s19] =	ssyncadd.s32 $0xFFFFE800  }
0x88: {  	[hbm4b:s25+s2] =	stream.linear.scatter [tilespmem:s18], [sflag:$0x3], $0x800, $0x38;
	[tilespmem:$0x3100] =	vst v63  }
0x89: {  	_ = 	snop  }
0x8a: {  	[hbm4b:s26+s2] =	stream.linear.scatter [tilespmem:s28], [sflag:$0x3], $0x800, $0x38;
	[tilespmem:$0x3100] =	vst v63  }
0x8b: {  	_ = 	snop  }
0x8c: {  	[hbm4b:s30+s2] =	stream.linear.scatter [tilespmem:s31], [sflag:$0x3], $0x800, $0x38;
	[tilespmem:$0x3100] =	vst v63  }
0x8d: {  	_ =	swait.ge [sflag:s29], $0x800  }
0x8e: {  	[sflag:s29] =	ssyncset.done $0x0  }
0x8f: {  	[sflag:s29] =	ssyncadd.s32 $0xFFFFF800  }
0x90: {  	_ =	swait.ge [sflag:s29], $0x800  }
0x91: {  	[sflag:s29] =	ssyncset.done $0x0  }
0x92: {  	[sflag:s29] =	ssyncadd.s32 $0xFFFFF800  }
0x93: {  	_ =	swait.ge [sflag:s29], $0x800  }
0x94: {  	[sflag:s29] =	ssyncset.done $0x0  }
0x95: {  	p0 =	sne.s32 s1, $0x1;
	[sflag:s29] =	ssyncadd.s32 $0xFFFFF800  }
.Ltmp1:
0x96: {  	_ =	swait.ge [sflag:s29], $0x800;
	(pc) =	sbr.rel @p0 .LBB2_1-.Ltmp1, $4  }
0x97: {  	[sflag:s29] =	ssyncset.done $0x0  }
0x98: {  	[sflag:s29] =	ssyncadd.s32 $0xFFFFF800  }
0x99: {  	_ =	swait.ge [sflag:s29], $0x800  }
0x9a: {  	s1 =	sadd.s32 $0xFFFFFFFF, s1;
	[sflag:s29] =	ssyncset.done $0x0  }
.LBB2_2:
0x9b: {  	[sflag:s29] =	ssyncadd.s32 $0xFFFFF800  }
0x9c: {  	_ =	swait.ge [sflag:s29], $0x800  }
0x9d: {  	[sflag:s29] =	ssyncset.done $0x0  }
0x9e: {  	[sflag:s29] =	ssyncadd.s32 $0xFFFFF800  }
0x9f: {  	_ =	sfence.sel $0x180000  }
0xa0: {  	[bflag:$0x0] =	sbarrier.arrive $0xFFFF  }
0xa1: {  	_ =	strace $0x90000047  }
0xa2: {  	s0 =	stileid.u32;
	[bflag:$0x2] =	sbarrier.arrive $0xFFFF  }
0xa3: {  	p0 =	sne.s32 s0, $0x0;
	s0 =	rddreg [dreg:$0x3]  }
0xa4: {  	s0 =	sadd.s32 @!p0 $0x100000, s0  }
0xa5: {  	[sflag:s0] =	ssyncadd.tile.s32 @!p0 $0x1;
	_ =	shalt  }
.Lfunc_end2:
_tile_overlayer_lowered:
.L_overlay_start_2:
0xa6: {  	(tag) =	ssettag $0x2  }
0xa7: {  	s0 =	rddreg [dreg:$0x0];
	s2 =	stileid.u32  }
0xa8: {  	s1 =	rddreg [dreg:$0x1];
	p0 =	sne.s32 s2, $0x0  }
0xa9: {  	s3 =	rddreg [dreg:$0x2];
	[bflag:$0x3] =	sbarrier.arrive $0xFFFF;
	s2 =	simm.s32 @!p0 $0x1C04  }
0xaa: {  	[timem:s3], [sflag:s2] =	dma.local @!p0 [hbm:s0], s1  }
0xab: {  	s0 =	simm.s32 @!p0 $0x4  }
0xac: {  	_ =	swait.ge @!p0 [sflag:s0], s1  }
0xad: {  	s1 =	ssub.s32 @!p0 $0x0, s1;
	[sflag:s0] =	ssyncset.done @!p0 $0x0  }
0xae: {  	[sflag:s0] =	ssyncadd.s32 @!p0 s1  }
0xaf: {  	[bflag:$0x3] =	sbarrier.arrive $0xFFFF  }
0xb0: {  	_ =	shalt  }

</sc_bundles>
